<compile_context>
chip_gen: v7x
topology: tpu7x:2x2x1
jax: 0.10.2.dev20260603
libtpu: 0.0.44.dev20260713+nightly
codegen_flags: <defaults>
</compile_context>

<pallas_src>
import functools

import jax
import jax.numpy as jnp
from jax import lax
from jax.experimental import pallas as pl
from jax.experimental.pallas import tpu as pltpu
from jax.experimental.pallas import tpu_sc as plsc

INPUT_DIM = 4096
HIDDEN_DIMS = [8192, 8192]
OUTPUT_DIM = 4096
FANIN = 64
LAYER_DIMS = [INPUT_DIM] + HIDDEN_DIMS + [OUTPUT_DIM]
LAYER_INDICES = [0]
for _d in LAYER_DIMS:
    LAYER_INDICES.append(LAYER_INDICES[-1] + _d)
TOTAL_ROWS = sum(LAYER_DIMS[1:])

NC = 2
NS = 16
LANES = 16
PAD = 72

_LAYERS = []
for _i in range(1, len(LAYER_DIMS)):
    _LAYERS.append((LAYER_DIMS[_i], LAYER_INDICES[_i - 1],
                    LAYER_INDICES[_i] - INPUT_DIM,
                    LAYER_INDICES[_i] - INPUT_DIM))

_MAX_NPT = max(n for n, _, _, _ in _LAYERS) // NS


def _build_net_kernel():
    mesh = plsc.VectorSubcoreMesh(core_axis_name="c", subcore_axis_name="s")
    out_type = [
        jax.ShapeDtypeStruct((NC, HIDDEN_DIMS[0]), jnp.float32),
        jax.ShapeDtypeStruct((NC, HIDDEN_DIMS[1]), jnp.float32),
        jax.ShapeDtypeStruct((OUTPUT_DIM,), jnp.float32),
    ]

    @functools.partial(
        pl.kernel,
        out_type=out_type,
        mesh=mesh,
        compiler_params=pltpu.CompilerParams(needs_layout_passes=False,
                                             use_tc_tiling_on_sc=False,
                                             disable_bounds_checks=True),
        scratch_types=[
            pltpu.VMEM((_MAX_NPT, PAD), jnp.int32),
            pltpu.VMEM((_MAX_NPT, PAD), jnp.float32),
            pltpu.VMEM((HIDDEN_DIMS[0],), jnp.float32),
            pltpu.VMEM((TOTAL_ROWS // NS,), jnp.float32),
            pltpu.VMEM((_MAX_NPT,), jnp.float32),
            pltpu.SemaphoreType.DMA,
            pltpu.SemaphoreType.DMA,
            pltpu.SemaphoreType.DMA,
            pltpu.SemaphoreType.DMA,
            pltpu.SemaphoreType.DMA,
            pltpu.SemaphoreType.DMA,
        ],
    )
    def net(x_hbm, src_hbm, w_hbm, b_hbm, st1, st2, out_hbm,
            src_v, w_v, acts_v, bias_v, out_v, s0, s1, s2, s3, s4, s5):
        c = lax.axis_index("c")
        s = lax.axis_index("s")
        lane = lax.iota(jnp.int32, LANES)
        zero = jnp.zeros((LANES,), jnp.float32)
        ssrc = (s0, s1)
        sw = (s2, s3)

        def fire_edges(row0, nrows, dst0=0, par=0):
            c1 = pltpu.async_copy(
                src_hbm.at[pl.ds(row0, nrows), :],
                src_v.at[pl.ds(dst0, nrows), pl.ds(0, FANIN)], ssrc[par])
            c2 = pltpu.async_copy(
                w_hbm.at[pl.ds(row0, nrows), :],
                w_v.at[pl.ds(dst0, nrows), pl.ds(0, FANIN)], sw[par])
            return c1, c2

        def compute_layer(nrows, prev_start, bias_base, row_base=0):
            def group(g, _):
                rows = row_base + g * LANES + lane

                def jblock(t, accs):
                    a0, a1, a2, a3 = accs
                    accs = [a0, a1, a2, a3]
                    for u in range(8):
                        cols = jnp.full((LANES,), 0, jnp.int32) + (t * 8 + u)
                        si = plsc.load_gather(src_v, [rows, cols])
                        wv = plsc.load_gather(w_v, [rows, cols])
                        av = plsc.load_gather(acts_v, [si - prev_start])
                        accs[u % 4] = accs[u % 4] + av * wv
                    return tuple(accs)

                accs = lax.fori_loop(0, FANIN // 8, jblock,
                                     (zero, zero, zero, zero))
                acc = (accs[0] + accs[1]) + (accs[2] + accs[3])
                nb = row_base + g * LANES
                b = bias_v[pl.ds(bias_base + nb, LANES)]
                out_v[pl.ds(nb, LANES)] = jnp.maximum(acc + b, 0.0)
                return 0

            lax.fori_loop(0, nrows // LANES, group, 0)

        n1, ps1, er1, bb1 = _LAYERS[0]
        npt1 = n1 // NS
        n2, ps2, er2, bb2 = _LAYERS[1]
        npt2 = n2 // NS
        n3, ps3, er3, bb3 = _LAYERS[2]
        npt3 = n3 // NS
        cx = pltpu.async_copy(x_hbm, acts_v.at[pl.ds(0, INPUT_DIM)], s4)
        cb1 = pltpu.async_copy(b_hbm.at[pl.ds(bb1 + s * npt1, npt1)],
                               bias_v.at[pl.ds(0, npt1)], s5)
        cb2 = pltpu.async_copy(b_hbm.at[pl.ds(bb2 + s * npt2, npt2)],
                               bias_v.at[pl.ds(npt1, npt2)], s5)
        cb3 = pltpu.async_copy(b_hbm.at[pl.ds(bb3 + s * npt3, npt3)],
                               bias_v.at[pl.ds(npt1 + npt2, npt3)], s5)
        half = npt1 // 2
        pa = fire_edges(er1 + s * npt1, half, 0, 0)
        pb = fire_edges(er1 + s * npt1 + half, half, half, 1)
        cx.wait()
        cb1.wait()
        cb2.wait()
        cb3.wait()
        pa[0].wait()
        pa[1].wait()
        compute_layer(half, ps1, 0)
        pb[0].wait()
        pb[1].wait()
        compute_layer(half, ps1, 0, row_base=half)

        p0 = fire_edges(er2 + s * npt2, npt2)
        co = pltpu.async_copy(out_v, st1.at[c, pl.ds(s * npt1, npt1)], s4)
        co.wait()
        plsc.subcore_barrier()
        ca = pltpu.async_copy(st1.at[c], acts_v, s4)
        ca.wait()
        p0[0].wait()
        p0[1].wait()
        compute_layer(npt2, ps2, npt1)

        p0 = fire_edges(er3 + s * npt3, npt3)
        co = pltpu.async_copy(out_v, st2.at[c, pl.ds(s * npt2, npt2)], s4)
        co.wait()
        plsc.subcore_barrier()
        ca = pltpu.async_copy(st2.at[c], acts_v, s4)
        ca.wait()
        p0[0].wait()
        p0[1].wait()
        compute_layer(npt3, ps3, npt1 + npt2)

        @pl.when(c == 0)
        def _():
            pltpu.async_copy(out_v.at[pl.ds(0, npt3)],
                             out_hbm.at[pl.ds(s * npt3, npt3)], s4).wait()

    return net


_NET = _build_net_kernel()


def kernel(x, edge_index, weights, bias):
    src2d = edge_index[0].reshape(TOTAL_ROWS, FANIN)
    w2d = weights.reshape(TOTAL_ROWS, FANIN)
    _, _, out = _NET(x, src2d, w2d, bias)
    return out

# --- scband reference (transcript-rebuilt; emitter-appended) ---
"""Pipeline reference for scband-sparse-network-1460288880652 (READ-ONLY COPY).

The authoritative reference and input builder live on the scoring server;
editing this copy changes nothing except your own understanding.
"""

import jax, jax.numpy as jnp
import numpy as np

INPUT_DIM = 4096
HIDDEN_DIMS = [8192, 8192]
OUTPUT_DIM = 4096
FANIN = 64
LAYER_DIMS = [INPUT_DIM] + HIDDEN_DIMS + [OUTPUT_DIM]
LAYER_INDICES = [0]
for _d in LAYER_DIMS:
    LAYER_INDICES.append(LAYER_INDICES[-1] + _d)
TOTAL_NODES = LAYER_INDICES[-1]
NUM_EDGES = sum(LAYER_DIMS[i] * FANIN for i in range(1, len(LAYER_DIMS)))


def _build_edges():
    rng = np.random.RandomState(0)
    srcs, dsts = [], []
    for i in range(1, len(LAYER_DIMS)):
        prev_start, prev_end = LAYER_INDICES[i - 1], LAYER_INDICES[i]
        cur_start, cur_end = LAYER_INDICES[i], LAYER_INDICES[i + 1]
        n = LAYER_DIMS[i]
        dst = np.repeat(np.arange(cur_start, cur_end, dtype=np.int32), FANIN)
        src = rng.randint(prev_start, prev_end, size=n * FANIN).astype(np.int32)
        srcs.append(src)
        dsts.append(dst)
    return np.stack([np.concatenate(srcs), np.concatenate(dsts)], axis=0)


def setup_inputs(seed: int = 0) -> dict:
    key = jax.random.key(seed)
    kx, kw = jax.random.split(key, 2)
    x = jax.random.normal(kx, (INPUT_DIM,), dtype=jnp.float32)
    edge_index = jnp.asarray(_build_edges(), dtype=jnp.int32)
    weights = (jax.random.normal(kw, (NUM_EDGES,), dtype=jnp.float32) * 0.1)
    bias = jnp.zeros((TOTAL_NODES - INPUT_DIM,), dtype=jnp.float32)
    return {"x": x, "edge_index": edge_index, "weights": weights, "bias": bias}


def reference(x, edge_index, weights, bias):
    # Faithful vectorization of the per-node loop: for each non-input node,
    # activation = relu(sum_{edges e with dst==node} act[src[e]] * w[e] + bias[node-offset]).
    # Edges are grouped contiguously by destination layer, so layer-by-layer
    # segment-sums reproduce the exact sequential semantics.
    activations = jnp.zeros((TOTAL_NODES,), dtype=jnp.float32).at[:INPUT_DIM].set(x)
    offset = 0
    for i in range(1, len(LAYER_DIMS)):
        cur_start, cur_end = LAYER_INDICES[i], LAYER_INDICES[i + 1]
        n = LAYER_DIMS[i]
        n_e = n * FANIN
        src = edge_index[0, offset:offset + n_e]
        dst = edge_index[1, offset:offset + n_e]
        msg = activations[src] * weights[offset:offset + n_e]
        sums = jax.ops.segment_sum(msg, dst - cur_start, num_segments=n)
        b = bias[cur_start - INPUT_DIM:cur_end - INPUT_DIM]
        acts = jax.nn.relu(sums + b)
        activations = activations.at[cur_start:cur_end].set(acts)
        offset += n_e
    return activations[LAYER_INDICES[-2]:]

if __name__ == "__main__":
    import jax
    _d = setup_inputs()
    print(jax.jit(kernel)(*tuple(_d.values())))

</pallas_src>

<mosaic_0001>
#map = affine_map<(d0, d1) -> (0)>
#map1 = affine_map<(d0, d1) -> (0, 0)>
module attributes {stable_mosaic.version = 14 : i64} {
  func.func @net(%arg0: i32, %arg1: i32, %arg2: memref<4096xf32, #tpu.memory_space<hbm>>, %arg3: memref<20480x64xi32, #tpu.memory_space<hbm>>, %arg4: memref<20480x64xf32, #tpu.memory_space<hbm>>, %arg5: memref<20480xf32, #tpu.memory_space<hbm>>, %arg6: memref<2x8192xf32, #tpu.memory_space<hbm>>, %arg7: memref<2x8192xf32, #tpu.memory_space<hbm>>, %arg8: memref<4096xf32, #tpu.memory_space<hbm>>, %arg9: memref<512x72xi32, #tpu.memory_space<vmem>>, %arg10: memref<512x72xf32, #tpu.memory_space<vmem>>, %arg11: memref<8192xf32, #tpu.memory_space<vmem>>, %arg12: memref<1280xf32, #tpu.memory_space<vmem>>, %arg13: memref<512xf32, #tpu.memory_space<vmem>>, %arg14: memref<!tpu.dma_semaphore, #tpu.memory_space<semaphore_mem>>, %arg15: memref<!tpu.dma_semaphore, #tpu.memory_space<semaphore_mem>>, %arg16: memref<!tpu.dma_semaphore, #tpu.memory_space<semaphore_mem>>, %arg17: memref<!tpu.dma_semaphore, #tpu.memory_space<semaphore_mem>>, %arg18: memref<!tpu.dma_semaphore, #tpu.memory_space<semaphore_mem>>, %arg19: memref<!tpu.dma_semaphore, #tpu.memory_space<semaphore_mem>>) attributes {dimension_semantics = [#tpu.dimension_semantics<core_parallel>, #tpu.dimension_semantics<subcore_parallel>], iteration_bounds = array<i64: 2, 16>, scalar_prefetch = 0 : i64, scratch_operands = 11 : i64, tpu.core_type = #tpu.core_type<sc_vector_subcore>, window_params = [{transform_indices = #map}, {transform_indices = #map1}, {transform_indices = #map1}, {transform_indices = #map}, {transform_indices = #map1}, {transform_indices = #map1}, {transform_indices = #map}]} {
    %iota3A = tpu.iota {dimensions = array<i32: 0>} : vector<16xi32>
    %broadcast_in_dim3A = arith.constant 0.000000e+00 : f32
    %broadcast_in_dim3A_0 = vector.broadcast %broadcast_in_dim3A : f32 to vector<16xf32>
    %dma_start3A = arith.constant 0 : i32
    %dma_start3A_1 = tpu.memref_slice %arg11[%dma_start3A] : memref<8192xf32, #tpu.memory_space<vmem>> -> memref<4096xf32, #tpu.memory_space<vmem>>
    %dma_start3A_2 = arith.constant 0 : i32
    %dma_start3A_3 = tpu.memref_slice %arg11[%dma_start3A_2] : memref<8192xf32, #tpu.memory_space<vmem>> -> memref<4096xf32, #tpu.memory_space<vmem>>
    tpu.enqueue_dma source(%arg2 : memref<4096xf32, #tpu.memory_space<hbm>>) target(%dma_start3A_3 : memref<4096xf32, #tpu.memory_space<vmem>>) target_semaphore(%arg18 : memref<!tpu.dma_semaphore, #tpu.memory_space<semaphore_mem>>)
    %mul3A = arith.constant 512 : i32
    %mul3A_4 = arith.muli %arg1, %mul3A : i32
    %add3A = arith.constant 0 : i32
    %add3A_5 = arith.addi %add3A, %mul3A_4 : i32
    %dma_start3A_6 = arith.constant 0 : i32
    %dma_start3A_7 = tpu.memref_slice %arg12[%dma_start3A_6] : memref<1280xf32, #tpu.memory_space<vmem>> -> memref<512xf32, #tpu.memory_space<vmem>>
    %dma_start3A_8 = tpu.memref_slice %arg5[%add3A_5] : memref<20480xf32, #tpu.memory_space<hbm>> -> memref<512xf32, #tpu.memory_space<hbm>>
    %dma_start3A_9 = arith.constant 0 : i32
    %dma_start3A_10 = tpu.memref_slice %arg12[%dma_start3A_9] : memref<1280xf32, #tpu.memory_space<vmem>> -> memref<512xf32, #tpu.memory_space<vmem>>
    %dma_start3A_11 = tpu.memref_slice %arg5[%add3A_5] : memref<20480xf32, #tpu.memory_space<hbm>> -> memref<512xf32, #tpu.memory_space<hbm>>
    tpu.enqueue_dma source(%dma_start3A_11 : memref<512xf32, #tpu.memory_space<hbm>>) target(%dma_start3A_10 : memref<512xf32, #tpu.memory_space<vmem>>) target_semaphore(%arg19 : memref<!tpu.dma_semaphore, #tpu.memory_space<semaphore_mem>>)
    %mul3A_12 = arith.constant 512 : i32
    %mul3A_13 = arith.muli %arg1, %mul3A_12 : i32
    %add3A_14 = arith.constant 8192 : i32
    %add3A_15 = arith.addi %add3A_14, %mul3A_13 : i32
    %dma_start3A_16 = arith.constant 512 : i32
    %dma_start3A_17 = tpu.memref_slice %arg12[%dma_start3A_16] : memref<1280xf32, #tpu.memory_space<vmem>> -> memref<512xf32, #tpu.memory_space<vmem>>
    %dma_start3A_18 = tpu.memref_slice %arg5[%add3A_15] : memref<20480xf32, #tpu.memory_space<hbm>> -> memref<512xf32, #tpu.memory_space<hbm>>
    %dma_start3A_19 = arith.constant 512 : i32
    %dma_start3A_20 = tpu.memref_slice %arg12[%dma_start3A_19] : memref<1280xf32, #tpu.memory_space<vmem>> -> memref<512xf32, #tpu.memory_space<vmem>>
    %dma_start3A_21 = tpu.memref_slice %arg5[%add3A_15] : memref<20480xf32, #tpu.memory_space<hbm>> -> memref<512xf32, #tpu.memory_space<hbm>>
    tpu.enqueue_dma source(%dma_start3A_21 : memref<512xf32, #tpu.memory_space<hbm>>) target(%dma_start3A_20 : memref<512xf32, #tpu.memory_space<vmem>>) target_semaphore(%arg19 : memref<!tpu.dma_semaphore, #tpu.memory_space<semaphore_mem>>)
    %mul3A_22 = arith.constant 256 : i32
    %mul3A_23 = arith.muli %arg1, %mul3A_22 : i32
    %add3A_24 = arith.constant 16384 : i32
    %add3A_25 = arith.addi %add3A_24, %mul3A_23 : i32
    %dma_start3A_26 = arith.constant 1024 : i32
    %dma_start3A_27 = tpu.memref_slice %arg12[%dma_start3A_26] : memref<1280xf32, #tpu.memory_space<vmem>> -> memref<256xf32, #tpu.memory_space<vmem>>
    %dma_start3A_28 = tpu.memref_slice %arg5[%add3A_25] : memref<20480xf32, #tpu.memory_space<hbm>> -> memref<256xf32, #tpu.memory_space<hbm>>
    %dma_start3A_29 = arith.constant 1024 : i32
    %dma_start3A_30 = tpu.memref_slice %arg12[%dma_start3A_29] : memref<1280xf32, #tpu.memory_space<vmem>> -> memref<256xf32, #tpu.memory_space<vmem>>
    %dma_start3A_31 = tpu.memref_slice %arg5[%add3A_25] : memref<20480xf32, #tpu.memory_space<hbm>> -> memref<256xf32, #tpu.memory_space<hbm>>
    tpu.enqueue_dma source(%dma_start3A_31 : memref<256xf32, #tpu.memory_space<hbm>>) target(%dma_start3A_30 : memref<256xf32, #tpu.memory_space<vmem>>) target_semaphore(%arg19 : memref<!tpu.dma_semaphore, #tpu.memory_space<semaphore_mem>>)
    %mul3A_32 = arith.constant 512 : i32
    %mul3A_33 = arith.muli %arg1, %mul3A_32 : i32
    %add3A_34 = arith.constant 0 : i32
    %add3A_35 = arith.addi %add3A_34, %mul3A_33 : i32
    %dma_start3A_36 = arith.constant 0 : i32
    %dma_start3A_37 = arith.constant 0 : i32
    %dma_start3A_38 = tpu.memref_slice %arg9[%dma_start3A_36, %dma_start3A_37] : memref<512x72xi32, #tpu.memory_space<vmem>> -> memref<256x64xi32, #tpu.memory_space<vmem>>
    %dma_start3A_39 = arith.constant 0 : i32
    %dma_start3A_40 = tpu.memref_slice %arg3[%add3A_35, %dma_start3A_39] : memref<20480x64xi32, #tpu.memory_space<hbm>> -> memref<256x64xi32, #tpu.memory_space<hbm>>
    %dma_start3A_41 = arith.constant 0 : i32
    %dma_start3A_42 = arith.constant 0 : i32
    %dma_start3A_43 = tpu.memref_slice %arg9[%dma_start3A_41, %dma_start3A_42] : memref<512x72xi32, #tpu.memory_space<vmem>> -> memref<256x64xi32, #tpu.memory_space<vmem>>
    %dma_start3A_44 = arith.constant 0 : i32
    %dma_start3A_45 = tpu.memref_slice %arg3[%add3A_35, %dma_start3A_44] : memref<20480x64xi32, #tpu.memory_space<hbm>> -> memref<256x64xi32, #tpu.memory_space<hbm>>
    tpu.enqueue_dma source(%dma_start3A_45 : memref<256x64xi32, #tpu.memory_space<hbm>>) target(%dma_start3A_43 : memref<256x64xi32, #tpu.memory_space<vmem>>) target_semaphore(%arg14 : memref<!tpu.dma_semaphore, #tpu.memory_space<semaphore_mem>>)
    %dma_start3A_46 = arith.constant 0 : i32
    %dma_start3A_47 = arith.constant 0 : i32
    %dma_start3A_48 = tpu.memref_slice %arg10[%dma_start3A_46, %dma_start3A_47] : memref<512x72xf32, #tpu.memory_space<vmem>> -> memref<256x64xf32, #tpu.memory_space<vmem>>
    %dma_start3A_49 = arith.constant 0 : i32
    %dma_start3A_50 = tpu.memref_slice %arg4[%add3A_35, %dma_start3A_49] : memref<20480x64xf32, #tpu.memory_space<hbm>> -> memref<256x64xf32, #tpu.memory_space<hbm>>
    %dma_start3A_51 = arith.constant 0 : i32
    %dma_start3A_52 = arith.constant 0 : i32
    %dma_start3A_53 = tpu.memref_slice %arg10[%dma_start3A_51, %dma_start3A_52] : memref<512x72xf32, #tpu.memory_space<vmem>> -> memref<256x64xf32, #tpu.memory_space<vmem>>
    %dma_start3A_54 = arith.constant 0 : i32
    %dma_start3A_55 = tpu.memref_slice %arg4[%add3A_35, %dma_start3A_54] : memref<20480x64xf32, #tpu.memory_space<hbm>> -> memref<256x64xf32, #tpu.memory_space<hbm>>
    tpu.enqueue_dma source(%dma_start3A_55 : memref<256x64xf32, #tpu.memory_space<hbm>>) target(%dma_start3A_53 : memref<256x64xf32, #tpu.memory_space<vmem>>) target_semaphore(%arg16 : memref<!tpu.dma_semaphore, #tpu.memory_space<semaphore_mem>>)
    %mul3A_56 = arith.constant 512 : i32
    %mul3A_57 = arith.muli %arg1, %mul3A_56 : i32
    %add3A_58 = arith.constant 0 : i32
    %add3A_59 = arith.addi %add3A_58, %mul3A_57 : i32
    %add3A_60 = arith.constant 256 : i32
    %add3A_61 = arith.addi %add3A_59, %add3A_60 : i32
    %dma_start3A_62 = arith.constant 256 : i32
    %dma_start3A_63 = arith.constant 0 : i32
    %dma_start3A_64 = tpu.memref_slice %arg9[%dma_start3A_62, %dma_start3A_63] : memref<512x72xi32, #tpu.memory_space<vmem>> -> memref<256x64xi32, #tpu.memory_space<vmem>>
    %dma_start3A_65 = arith.constant 0 : i32
    %dma_start3A_66 = tpu.memref_slice %arg3[%add3A_61, %dma_start3A_65] : memref<20480x64xi32, #tpu.memory_space<hbm>> -> memref<256x64xi32, #tpu.memory_space<hbm>>
    %dma_start3A_67 = arith.constant 256 : i32
    %dma_start3A_68 = arith.constant 0 : i32
    %dma_start3A_69 = tpu.memref_slice %arg9[%dma_start3A_67, %dma_start3A_68] : memref<512x72xi32, #tpu.memory_space<vmem>> -> memref<256x64xi32, #tpu.memory_space<vmem>>
    %dma_start3A_70 = arith.constant 0 : i32
    %dma_start3A_71 = tpu.memref_slice %arg3[%add3A_61, %dma_start3A_70] : memref<20480x64xi32, #tpu.memory_space<hbm>> -> memref<256x64xi32, #tpu.memory_space<hbm>>
    tpu.enqueue_dma source(%dma_start3A_71 : memref<256x64xi32, #tpu.memory_space<hbm>>) target(%dma_start3A_69 : memref<256x64xi32, #tpu.memory_space<vmem>>) target_semaphore(%arg15 : memref<!tpu.dma_semaphore, #tpu.memory_space<semaphore_mem>>)
    %dma_start3A_72 = arith.constant 256 : i32
    %dma_start3A_73 = arith.constant 0 : i32
    %dma_start3A_74 = tpu.memref_slice %arg10[%dma_start3A_72, %dma_start3A_73] : memref<512x72xf32, #tpu.memory_space<vmem>> -> memref<256x64xf32, #tpu.memory_space<vmem>>
    %dma_start3A_75 = arith.constant 0 : i32
    %dma_start3A_76 = tpu.memref_slice %arg4[%add3A_61, %dma_start3A_75] : memref<20480x64xf32, #tpu.memory_space<hbm>> -> memref<256x64xf32, #tpu.memory_space<hbm>>
    %dma_start3A_77 = arith.constant 256 : i32
    %dma_start3A_78 = arith.constant 0 : i32
    %dma_start3A_79 = tpu.memref_slice %arg10[%dma_start3A_77, %dma_start3A_78] : memref<512x72xf32, #tpu.memory_space<vmem>> -> memref<256x64xf32, #tpu.memory_space<vmem>>
    %dma_start3A_80 = arith.constant 0 : i32
    %dma_start3A_81 = tpu.memref_slice %arg4[%add3A_61, %dma_start3A_80] : memref<20480x64xf32, #tpu.memory_space<hbm>> -> memref<256x64xf32, #tpu.memory_space<hbm>>
    tpu.enqueue_dma source(%dma_start3A_81 : memref<256x64xf32, #tpu.memory_space<hbm>>) target(%dma_start3A_79 : memref<256x64xf32, #tpu.memory_space<vmem>>) target_semaphore(%arg17 : memref<!tpu.dma_semaphore, #tpu.memory_space<semaphore_mem>>)
    %dma_wait3A = arith.constant 0 : i32
    %dma_wait3A_82 = tpu.memref_slice %arg11[%dma_wait3A] : memref<8192xf32, #tpu.memory_space<vmem>> -> memref<4096xf32, #tpu.memory_space<vmem>>
    %dma_wait3A_83 = arith.constant 0 : i32
    %dma_wait3A_84 = tpu.memref_slice %arg11[%dma_wait3A_83] : memref<8192xf32, #tpu.memory_space<vmem>> -> memref<4096xf32, #tpu.memory_space<vmem>>
    tpu.wait_dma2 semaphore(%arg18 : memref<!tpu.dma_semaphore, #tpu.memory_space<semaphore_mem>>) src(%arg2 : memref<4096xf32, #tpu.memory_space<hbm>>) dst(%dma_wait3A_84 : memref<4096xf32, #tpu.memory_space<vmem>>)
    %dma_wait3A_85 = arith.constant 0 : i32
    %dma_wait3A_86 = tpu.memref_slice %arg12[%dma_wait3A_85] : memref<1280xf32, #tpu.memory_space<vmem>> -> memref<512xf32, #tpu.memory_space<vmem>>
    %dma_wait3A_87 = tpu.memref_slice %arg5[%add3A_5] : memref<20480xf32, #tpu.memory_space<hbm>> -> memref<512xf32, #tpu.memory_space<hbm>>
    %dma_wait3A_88 = arith.constant 0 : i32
    %dma_wait3A_89 = tpu.memref_slice %arg12[%dma_wait3A_88] : memref<1280xf32, #tpu.memory_space<vmem>> -> memref<512xf32, #tpu.memory_space<vmem>>
    %dma_wait3A_90 = tpu.memref_slice %arg5[%add3A_5] : memref<20480xf32, #tpu.memory_space<hbm>> -> memref<512xf32, #tpu.memory_space<hbm>>
    tpu.wait_dma2 semaphore(%arg19 : memref<!tpu.dma_semaphore, #tpu.memory_space<semaphore_mem>>) src(%dma_wait3A_90 : memref<512xf32, #tpu.memory_space<hbm>>) dst(%dma_wait3A_89 : memref<512xf32, #tpu.memory_space<vmem>>)
    %dma_wait3A_91 = arith.constant 512 : i32
    %dma_wait3A_92 = tpu.memref_slice %arg12[%dma_wait3A_91] : memref<1280xf32, #tpu.memory_space<vmem>> -> memref<512xf32, #tpu.memory_space<vmem>>
    %dma_wait3A_93 = tpu.memref_slice %arg5[%add3A_15] : memref<20480xf32, #tpu.memory_space<hbm>> -> memref<512xf32, #tpu.memory_space<hbm>>
    %dma_wait3A_94 = arith.constant 512 : i32
    %dma_wait3A_95 = tpu.memref_slice %arg12[%dma_wait3A_94] : memref<1280xf32, #tpu.memory_space<vmem>> -> memref<512xf32, #tpu.memory_space<vmem>>
    %dma_wait3A_96 = tpu.memref_slice %arg5[%add3A_15] : memref<20480xf32, #tpu.memory_space<hbm>> -> memref<512xf32, #tpu.memory_space<hbm>>
    tpu.wait_dma2 semaphore(%arg19 : memref<!tpu.dma_semaphore, #tpu.memory_space<semaphore_mem>>) src(%dma_wait3A_96 : memref<512xf32, #tpu.memory_space<hbm>>) dst(%dma_wait3A_95 : memref<512xf32, #tpu.memory_space<vmem>>)
    %dma_wait3A_97 = arith.constant 1024 : i32
    %dma_wait3A_98 = tpu.memref_slice %arg12[%dma_wait3A_97] : memref<1280xf32, #tpu.memory_space<vmem>> -> memref<256xf32, #tpu.memory_space<vmem>>
    %dma_wait3A_99 = tpu.memref_slice %arg5[%add3A_25] : memref<20480xf32, #tpu.memory_space<hbm>> -> memref<256xf32, #tpu.memory_space<hbm>>
    %dma_wait3A_100 = arith.constant 1024 : i32
    %dma_wait3A_101 = tpu.memref_slice %arg12[%dma_wait3A_100] : memref<1280xf32, #tpu.memory_space<vmem>> -> memref<256xf32, #tpu.memory_space<vmem>>
    %dma_wait3A_102 = tpu.memref_slice %arg5[%add3A_25] : memref<20480xf32, #tpu.memory_space<hbm>> -> memref<256xf32, #tpu.memory_space<hbm>>
    tpu.wait_dma2 semaphore(%arg19 : memref<!tpu.dma_semaphore, #tpu.memory_space<semaphore_mem>>) src(%dma_wait3A_102 : memref<256xf32, #tpu.memory_space<hbm>>) dst(%dma_wait3A_101 : memref<256xf32, #tpu.memory_space<vmem>>)
    %dma_wait3A_103 = arith.constant 0 : i32
    %dma_wait3A_104 = arith.constant 0 : i32
    %dma_wait3A_105 = tpu.memref_slice %arg9[%dma_wait3A_103, %dma_wait3A_104] : memref<512x72xi32, #tpu.memory_space<vmem>> -> memref<256x64xi32, #tpu.memory_space<vmem>>
    %dma_wait3A_106 = arith.constant 0 : i32
    %dma_wait3A_107 = tpu.memref_slice %arg3[%add3A_35, %dma_wait3A_106] : memref<20480x64xi32, #tpu.memory_space<hbm>> -> memref<256x64xi32, #tpu.memory_space<hbm>>
    %dma_wait3A_108 = arith.constant 0 : i32
    %dma_wait3A_109 = arith.constant 0 : i32
    %dma_wait3A_110 = tpu.memref_slice %arg9[%dma_wait3A_108, %dma_wait3A_109] : memref<512x72xi32, #tpu.memory_space<vmem>> -> memref<256x64xi32, #tpu.memory_space<vmem>>
    %dma_wait3A_111 = arith.constant 0 : i32
    %dma_wait3A_112 = tpu.memref_slice %arg3[%add3A_35, %dma_wait3A_111] : memref<20480x64xi32, #tpu.memory_space<hbm>> -> memref<256x64xi32, #tpu.memory_space<hbm>>
    tpu.wait_dma2 semaphore(%arg14 : memref<!tpu.dma_semaphore, #tpu.memory_space<semaphore_mem>>) src(%dma_wait3A_112 : memref<256x64xi32, #tpu.memory_space<hbm>>) dst(%dma_wait3A_110 : memref<256x64xi32, #tpu.memory_space<vmem>>)
    %dma_wait3A_113 = arith.constant 0 : i32
    %dma_wait3A_114 = arith.constant 0 : i32
    %dma_wait3A_115 = tpu.memref_slice %arg10[%dma_wait3A_113, %dma_wait3A_114] : memref<512x72xf32, #tpu.memory_space<vmem>> -> memref<256x64xf32, #tpu.memory_space<vmem>>
    %dma_wait3A_116 = arith.constant 0 : i32
    %dma_wait3A_117 = tpu.memref_slice %arg4[%add3A_35, %dma_wait3A_116] : memref<20480x64xf32, #tpu.memory_space<hbm>> -> memref<256x64xf32, #tpu.memory_space<hbm>>
    %dma_wait3A_118 = arith.constant 0 : i32
    %dma_wait3A_119 = arith.constant 0 : i32
    %dma_wait3A_120 = tpu.memref_slice %arg10[%dma_wait3A_118, %dma_wait3A_119] : memref<512x72xf32, #tpu.memory_space<vmem>> -> memref<256x64xf32, #tpu.memory_space<vmem>>
    %dma_wait3A_121 = arith.constant 0 : i32
    %dma_wait3A_122 = tpu.memref_slice %arg4[%add3A_35, %dma_wait3A_121] : memref<20480x64xf32, #tpu.memory_space<hbm>> -> memref<256x64xf32, #tpu.memory_space<hbm>>
    tpu.wait_dma2 semaphore(%arg16 : memref<!tpu.dma_semaphore, #tpu.memory_space<semaphore_mem>>) src(%dma_wait3A_122 : memref<256x64xf32, #tpu.memory_space<hbm>>) dst(%dma_wait3A_120 : memref<256x64xf32, #tpu.memory_space<vmem>>)
    %scan3A = arith.constant 0 : i32
    %scan3A_123 = arith.constant 0 : i32
    %scan3A_124 = arith.constant 16 : i32
    %scan3A_125 = arith.addi %scan3A_123, %scan3A_124 : i32
    %scan3A_126 = arith.constant 1 : i32
    %scan3A_127 = scf.for %scan3A_305 = %scan3A_123 to %scan3A_125 step %scan3A_126 iter_args(%scan3A_306 = %scan3A) -> (i32)  : i32 {
      %mul3A_307 = arith.constant 16 : i32
      %mul3A_308 = arith.muli %scan3A_305, %mul3A_307 : i32
      %add3A_309 = arith.constant 0 : i32
      %add3A_310 = arith.addi %add3A_309, %mul3A_308 : i32
      %add3A_311 = vector.broadcast %add3A_310 : i32 to vector<16xi32>
      %add3A_312 = arith.addi %add3A_311, %iota3A : vector<16xi32>
      %scan3A_313 = arith.constant 0 : i32
      %scan3A_314 = arith.constant 8 : i32
      %scan3A_315 = arith.addi %scan3A_313, %scan3A_314 : i32
      %scan3A_316 = arith.constant 1 : i32
      %scan3A_317:4 = scf.for %scan3A_334 = %scan3A_313 to %scan3A_315 step %scan3A_316 iter_args(%scan3A_335 = %broadcast_in_dim3A_0, %scan3A_336 = %broadcast_in_dim3A_0, %scan3A_337 = %broadcast_in_dim3A_0, %scan3A_338 = %broadcast_in_dim3A_0) -> (vector<16xf32>, vector<16xf32>, vector<16xf32>, vector<16xf32>)  : i32 {
        %broadcast_in_dim3A_339 = arith.constant 0 : i32
        %broadcast_in_dim3A_340 = vector.broadcast %broadcast_in_dim3A_339 : i32 to vector<16xi32>
        %mul3A_341 = arith.constant 8 : i32
        %mul3A_342 = arith.muli %scan3A_334, %mul3A_341 : i32
        %add3A_343 = arith.constant 0 : i32
        %add3A_344 = arith.addi %mul3A_342, %add3A_343 : i32
        %add3A_345 = vector.broadcast %add3A_344 : i32 to vector<16xi32>
        %add3A_346 = arith.addi %broadcast_in_dim3A_340, %add3A_345 : vector<16xi32>
        %gather3A = tpu.vector_load_idx %arg9[%add3A_312, %add3A_346] : memref<512x72xi32, #tpu.memory_space<vmem>>[vector<16xi32>, vector<16xi32>], vector<16xi32>,
        %gather3A_347 = tpu.vector_load_idx %arg10[%add3A_312, %add3A_346] : memref<512x72xf32, #tpu.memory_space<vmem>>[vector<16xi32>, vector<16xi32>], vector<16xf32>,
        %sub3A = arith.constant 0 : i32
        %sub3A_348 = vector.broadcast %sub3A : i32 to vector<16xi32>
        %sub3A_349 = arith.subi %gather3A, %sub3A_348 : vector<16xi32>
        %gather3A_350 = tpu.vector_load_idx %arg11[%sub3A_349] : memref<8192xf32, #tpu.memory_space<vmem>>[vector<16xi32>], vector<16xf32>,
        %mul3A_351 = arith.mulf %gather3A_350, %gather3A_347 : vector<16xf32>
        %add3A_352 = arith.addf %scan3A_335, %mul3A_351 : vector<16xf32>
        %broadcast_in_dim3A_353 = arith.constant 0 : i32
        %broadcast_in_dim3A_354 = vector.broadcast %broadcast_in_dim3A_353 : i32 to vector<16xi32>
        %mul3A_355 = arith.constant 8 : i32
        %mul3A_356 = arith.muli %scan3A_334, %mul3A_355 : i32
        %add3A_357 = arith.constant 1 : i32
        %add3A_358 = arith.addi %mul3A_356, %add3A_357 : i32
        %add3A_359 = vector.broadcast %add3A_358 : i32 to vector<16xi32>
        %add3A_360 = arith.addi %broadcast_in_dim3A_354, %add3A_359 : vector<16xi32>
        %gather3A_361 = tpu.vector_load_idx %arg9[%add3A_312, %add3A_360] : memref<512x72xi32, #tpu.memory_space<vmem>>[vector<16xi32>, vector<16xi32>], vector<16xi32>,
        %gather3A_362 = tpu.vector_load_idx %arg10[%add3A_312, %add3A_360] : memref<512x72xf32, #tpu.memory_space<vmem>>[vector<16xi32>, vector<16xi32>], vector<16xf32>,
        %sub3A_363 = arith.constant 0 : i32
        %sub3A_364 = vector.broadcast %sub3A_363 : i32 to vector<16xi32>
        %sub3A_365 = arith.subi %gather3A_361, %sub3A_364 : vector<16xi32>
        %gather3A_366 = tpu.vector_load_idx %arg11[%sub3A_365] : memref<8192xf32, #tpu.memory_space<vmem>>[vector<16xi32>], vector<16xf32>,
        %mul3A_367 = arith.mulf %gather3A_366, %gather3A_362 : vector<16xf32>
        %add3A_368 = arith.addf %scan3A_336, %mul3A_367 : vector<16xf32>
        %broadcast_in_dim3A_369 = arith.constant 0 : i32
        %broadcast_in_dim3A_370 = vector.broadcast %broadcast_in_dim3A_369 : i32 to vector<16xi32>
        %mul3A_371 = arith.constant 8 : i32
        %mul3A_372 = arith.muli %scan3A_334, %mul3A_371 : i32
        %add3A_373 = arith.constant 2 : i32
        %add3A_374 = arith.addi %mul3A_372, %add3A_373 : i32
        %add3A_375 = vector.broadcast %add3A_374 : i32 to vector<16xi32>
        %add3A_376 = arith.addi %broadcast_in_dim3A_370, %add3A_375 : vector<16xi32>
        %gather3A_377 = tpu.vector_load_idx %arg9[%add3A_312, %add3A_376] : memref<512x72xi32, #tpu.memory_space<vmem>>[vector<16xi32>, vector<16xi32>], vector<16xi32>,
        %gather3A_378 = tpu.vector_load_idx %arg10[%add3A_312, %add3A_376] : memref<512x72xf32, #tpu.memory_space<vmem>>[vector<16xi32>, vector<16xi32>], vector<16xf32>,
        %sub3A_379 = arith.constant 0 : i32
        %sub3A_380 = vector.broadcast %sub3A_379 : i32 to vector<16xi32>
        %sub3A_381 = arith.subi %gather3A_377, %sub3A_380 : vector<16xi32>
        %gather3A_382 = tpu.vector_load_idx %arg11[%sub3A_381] : memref<8192xf32, #tpu.memory_space<vmem>>[vector<16xi32>], vector<16xf32>,
        %mul3A_383 = arith.mulf %gather3A_382, %gather3A_378 : vector<16xf32>
        %add3A_384 = arith.addf %scan3A_337, %mul3A_383 : vector<16xf32>
        %broadcast_in_dim3A_385 = arith.constant 0 : i32
        %broadcast_in_dim3A_386 = vector.broadcast %broadcast_in_dim3A_385 : i32 to vector<16xi32>
        %mul3A_387 = arith.constant 8 : i32
        %mul3A_388 = arith.muli %scan3A_334, %mul3A_387 : i32
        %add3A_389 = arith.constant 3 : i32
        %add3A_390 = arith.addi %mul3A_388, %add3A_389 : i32
        %add3A_391 = vector.broadcast %add3A_390 : i32 to vector<16xi32>
        %add3A_392 = arith.addi %broadcast_in_dim3A_386, %add3A_391 : vector<16xi32>
        %gather3A_393 = tpu.vector_load_idx %arg9[%add3A_312, %add3A_392] : memref<512x72xi32, #tpu.memory_space<vmem>>[vector<16xi32>, vector<16xi32>], vector<16xi32>,
        %gather3A_394 = tpu.vector_load_idx %arg10[%add3A_312, %add3A_392] : memref<512x72xf32, #tpu.memory_space<vmem>>[vector<16xi32>, vector<16xi32>], vector<16xf32>,
        %sub3A_395 = arith.constant 0 : i32
        %sub3A_396 = vector.broadcast %sub3A_395 : i32 to vector<16xi32>
        %sub3A_397 = arith.subi %gather3A_393, %sub3A_396 : vector<16xi32>
        %gather3A_398 = tpu.vector_load_idx %arg11[%sub3A_397] : memref<8192xf32, #tpu.memory_space<vmem>>[vector<16xi32>], vector<16xf32>,
        %mul3A_399 = arith.mulf %gather3A_398, %gather3A_394 : vector<16xf32>
        %add3A_400 = arith.addf %scan3A_338, %mul3A_399 : vector<16xf32>
        %broadcast_in_dim3A_401 = arith.constant 0 : i32
        %broadcast_in_dim3A_402 = vector.broadcast %broadcast_in_dim3A_401 : i32 to vector<16xi32>
        %mul3A_403 = arith.constant 8 : i32
        %mul3A_404 = arith.muli %scan3A_334, %mul3A_403 : i32
        %add3A_405 = arith.constant 4 : i32
        %add3A_406 = arith.addi %mul3A_404, %add3A_405 : i32
        %add3A_407 = vector.broadcast %add3A_406 : i32 to vector<16xi32>
        %add3A_408 = arith.addi %broadcast_in_dim3A_402, %add3A_407 : vector<16xi32>
        %gather3A_409 = tpu.vector_load_idx %arg9[%add3A_312, %add3A_408] : memref<512x72xi32, #tpu.memory_space<vmem>>[vector<16xi32>, vector<16xi32>], vector<16xi32>,
        %gather3A_410 = tpu.vector_load_idx %arg10[%add3A_312, %add3A_408] : memref<512x72xf32, #tpu.memory_space<vmem>>[vector<16xi32>, vector<16xi32>], vector<16xf32>,
        %sub3A_411 = arith.constant 0 : i32
        %sub3A_412 = vector.broadcast %sub3A_411 : i32 to vector<16xi32>
        %sub3A_413 = arith.subi %gather3A_409, %sub3A_412 : vector<16xi32>
        %gather3A_414 = tpu.vector_load_idx %arg11[%sub3A_413] : memref<8192xf32, #tpu.memory_space<vmem>>[vector<16xi32>], vector<16xf32>,
        %mul3A_415 = arith.mulf %gather3A_414, %gather3A_410 : vector<16xf32>
        %add3A_416 = arith.addf %add3A_352, %mul3A_415 : vector<16xf32>
        %broadcast_in_dim3A_417 = arith.constant 0 : i32
        %broadcast_in_dim3A_418 = vector.broadcast %broadcast_in_dim3A_417 : i32 to vector<16xi32>
        %mul3A_419 = arith.constant 8 : i32
        %mul3A_420 = arith.muli %scan3A_334, %mul3A_419 : i32
        %add3A_421 = arith.constant 5 : i32
        %add3A_422 = arith.addi %mul3A_420, %add3A_421 : i32
        %add3A_423 = vector.broadcast %add3A_422 : i32 to vector<16xi32>
        %add3A_424 = arith.addi %broadcast_in_dim3A_418, %add3A_423 : vector<16xi32>
        %gather3A_425 = tpu.vector_load_idx %arg9[%add3A_312, %add3A_424] : memref<512x72xi32, #tpu.memory_space<vmem>>[vector<16xi32>, vector<16xi32>], vector<16xi32>,
        %gather3A_426 = tpu.vector_load_idx %arg10[%add3A_312, %add3A_424] : memref<512x72xf32, #tpu.memory_space<vmem>>[vector<16xi32>, vector<16xi32>], vector<16xf32>,
        %sub3A_427 = arith.constant 0 : i32
        %sub3A_428 = vector.broadcast %sub3A_427 : i32 to vector<16xi32>
        %sub3A_429 = arith.subi %gather3A_425, %sub3A_428 : vector<16xi32>
        %gather3A_430 = tpu.vector_load_idx %arg11[%sub3A_429] : memref<8192xf32, #tpu.memory_space<vmem>>[vector<16xi32>], vector<16xf32>,
        %mul3A_431 = arith.mulf %gather3A_430, %gather3A_426 : vector<16xf32>
        %add3A_432 = arith.addf %add3A_368, %mul3A_431 : vector<16xf32>
        %broadcast_in_dim3A_433 = arith.constant 0 : i32
        %broadcast_in_dim3A_434 = vector.broadcast %broadcast_in_dim3A_433 : i32 to vector<16xi32>
        %mul3A_435 = arith.constant 8 : i32
        %mul3A_436 = arith.muli %scan3A_334, %mul3A_435 : i32
        %add3A_437 = arith.constant 6 : i32
        %add3A_438 = arith.addi %mul3A_436, %add3A_437 : i32
        %add3A_439 = vector.broadcast %add3A_438 : i32 to vector<16xi32>
        %add3A_440 = arith.addi %broadcast_in_dim3A_434, %add3A_439 : vector<16xi32>
        %gather3A_441 = tpu.vector_load_idx %arg9[%add3A_312, %add3A_440] : memref<512x72xi32, #tpu.memory_space<vmem>>[vector<16xi32>, vector<16xi32>], vector<16xi32>,
        %gather3A_442 = tpu.vector_load_idx %arg10[%add3A_312, %add3A_440] : memref<512x72xf32, #tpu.memory_space<vmem>>[vector<16xi32>, vector<16xi32>], vector<16xf32>,
        %sub3A_443 = arith.constant 0 : i32
        %sub3A_444 = vector.broadcast %sub3A_443 : i32 to vector<16xi32>
        %sub3A_445 = arith.subi %gather3A_441, %sub3A_444 : vector<16xi32>
        %gather3A_446 = tpu.vector_load_idx %arg11[%sub3A_445] : memref<8192xf32, #tpu.memory_space<vmem>>[vector<16xi32>], vector<16xf32>,
        %mul3A_447 = arith.mulf %gather3A_446, %gather3A_442 : vector<16xf32>
        %add3A_448 = arith.addf %add3A_384, %mul3A_447 : vector<16xf32>
        %broadcast_in_dim3A_449 = arith.constant 0 : i32
        %broadcast_in_dim3A_450 = vector.broadcast %broadcast_in_dim3A_449 : i32 to vector<16xi32>
        %mul3A_451 = arith.constant 8 : i32
        %mul3A_452 = arith.muli %scan3A_334, %mul3A_451 : i32
        %add3A_453 = arith.constant 7 : i32
        %add3A_454 = arith.addi %mul3A_452, %add3A_453 : i32
        %add3A_455 = vector.broadcast %add3A_454 : i32 to vector<16xi32>
        %add3A_456 = arith.addi %broadcast_in_dim3A_450, %add3A_455 : vector<16xi32>
        %gather3A_457 = tpu.vector_load_idx %arg9[%add3A_312, %add3A_456] : memref<512x72xi32, #tpu.memory_space<vmem>>[vector<16xi32>, vector<16xi32>], vector<16xi32>,
        %gather3A_458 = tpu.vector_load_idx %arg10[%add3A_312, %add3A_456] : memref<512x72xf32, #tpu.memory_space<vmem>>[vector<16xi32>, vector<16xi32>], vector<16xf32>,
        %sub3A_459 = arith.constant 0 : i32
        %sub3A_460 = vector.broadcast %sub3A_459 : i32 to vector<16xi32>
        %sub3A_461 = arith.subi %gather3A_457, %sub3A_460 : vector<16xi32>
        %gather3A_462 = tpu.vector_load_idx %arg11[%sub3A_461] : memref<8192xf32, #tpu.memory_space<vmem>>[vector<16xi32>], vector<16xf32>,
        %mul3A_463 = arith.mulf %gather3A_462, %gather3A_458 : vector<16xf32>
        %add3A_464 = arith.addf %add3A_400, %mul3A_463 : vector<16xf32>
        scf.yield %add3A_416, %add3A_432, %add3A_448, %add3A_464 : vector<16xf32>, vector<16xf32>, vector<16xf32>, vector<16xf32>
      }
      %scan3A_318 = arith.constant 8 : i32
      %add3A_319 = arith.addf %scan3A_317#0, %scan3A_317#1 : vector<16xf32>
      %add3A_320 = arith.addf %scan3A_317#2, %scan3A_317#3 : vector<16xf32>
      %add3A_321 = arith.addf %add3A_319, %add3A_320 : vector<16xf32>
      %mul3A_322 = arith.constant 16 : i32
      %mul3A_323 = arith.muli %scan3A_305, %mul3A_322 : i32
      %add3A_324 = arith.constant 0 : i32
      %add3A_325 = arith.addi %add3A_324, %mul3A_323 : i32
      %add3A_326 = arith.constant 0 : i32
      %add3A_327 = arith.addi %add3A_326, %add3A_325 : i32
      %get3A = arith.index_cast %add3A_327 : i32 to index
      %get3A_328 = tpu.vector_load %arg12[%get3A] {strides = array<i32>} : memref<1280xf32, #tpu.memory_space<vmem>>, vector<16xf32>,
      %add3A_329 = arith.addf %add3A_321, %get3A_328 : vector<16xf32>
      %max3A = arith.constant 0.000000e+00 : f32
      %max3A_330 = vector.broadcast %max3A : f32 to vector<16xf32>
      %max3A_331 = arith.maximumf %add3A_329, %max3A_330 : vector<16xf32>
      %swap3A = arith.index_cast %add3A_325 : i32 to index
      %swap3A_332 = tpu.vector_load %arg13[%swap3A] {strides = array<i32>} : memref<512xf32, #tpu.memory_space<vmem>>, vector<16xf32>,
      tpu.vector_store %arg13[%swap3A], %max3A_331 {strides = array<i32>} : memref<512xf32, #tpu.memory_space<vmem>>, vector<16xf32>,
      %scan3A_333 = arith.constant 0 : i32
      scf.yield %scan3A_333 : i32
    }
    %scan3A_128 = arith.constant 16 : i32
    %dma_wait3A_129 = arith.constant 256 : i32
    %dma_wait3A_130 = arith.constant 0 : i32
    %dma_wait3A_131 = tpu.memref_slice %arg9[%dma_wait3A_129, %dma_wait3A_130] : memref<512x72xi32, #tpu.memory_space<vmem>> -> memref<256x64xi32, #tpu.memory_space<vmem>>
    %dma_wait3A_132 = arith.constant 0 : i32
    %dma_wait3A_133 = tpu.memref_slice %arg3[%add3A_61, %dma_wait3A_132] : memref<20480x64xi32, #tpu.memory_space<hbm>> -> memref<256x64xi32, #tpu.memory_space<hbm>>
    %dma_wait3A_134 = arith.constant 256 : i32
    %dma_wait3A_135 = arith.constant 0 : i32
    %dma_wait3A_136 = tpu.memref_slice %arg9[%dma_wait3A_134, %dma_wait3A_135] : memref<512x72xi32, #tpu.memory_space<vmem>> -> memref<256x64xi32, #tpu.memory_space<vmem>>
    %dma_wait3A_137 = arith.constant 0 : i32
    %dma_wait3A_138 = tpu.memref_slice %arg3[%add3A_61, %dma_wait3A_137] : memref<20480x64xi32, #tpu.memory_space<hbm>> -> memref<256x64xi32, #tpu.memory_space<hbm>>
    tpu.wait_dma2 semaphore(%arg15 : memref<!tpu.dma_semaphore, #tpu.memory_space<semaphore_mem>>) src(%dma_wait3A_138 : memref<256x64xi32, #tpu.memory_space<hbm>>) dst(%dma_wait3A_136 : memref<256x64xi32, #tpu.memory_space<vmem>>)
    %dma_wait3A_139 = arith.constant 256 : i32
    %dma_wait3A_140 = arith.constant 0 : i32
    %dma_wait3A_141 = tpu.memref_slice %arg10[%dma_wait3A_139, %dma_wait3A_140] : memref<512x72xf32, #tpu.memory_space<vmem>> -> memref<256x64xf32, #tpu.memory_space<vmem>>
    %dma_wait3A_142 = arith.constant 0 : i32
    %dma_wait3A_143 = tpu.memref_slice %arg4[%add3A_61, %dma_wait3A_142] : memref<20480x64xf32, #tpu.memory_space<hbm>> -> memref<256x64xf32, #tpu.memory_space<hbm>>
    %dma_wait3A_144 = arith.constant 256 : i32
    %dma_wait3A_145 = arith.constant 0 : i32
    %dma_wait3A_146 = tpu.memref_slice %arg10[%dma_wait3A_144, %dma_wait3A_145] : memref<512x72xf32, #tpu.memory_space<vmem>> -> memref<256x64xf32, #tpu.memory_space<vmem>>
    %dma_wait3A_147 = arith.constant 0 : i32
    %dma_wait3A_148 = tpu.memref_slice %arg4[%add3A_61, %dma_wait3A_147] : memref<20480x64xf32, #tpu.memory_space<hbm>> -> memref<256x64xf32, #tpu.memory_space<hbm>>
    tpu.wait_dma2 semaphore(%arg17 : memref<!tpu.dma_semaphore, #tpu.memory_space<semaphore_mem>>) src(%dma_wait3A_148 : memref<256x64xf32, #tpu.memory_space<hbm>>) dst(%dma_wait3A_146 : memref<256x64xf32, #tpu.memory_space<vmem>>)
    %scan3A_149 = arith.constant 0 : i32
    %scan3A_150 = arith.constant 0 : i32
    %scan3A_151 = arith.constant 16 : i32
    %scan3A_152 = arith.addi %scan3A_150, %scan3A_151 : i32
    %scan3A_153 = arith.constant 1 : i32
    %scan3A_154 = scf.for %scan3A_305 = %scan3A_150 to %scan3A_152 step %scan3A_153 iter_args(%scan3A_306 = %scan3A_149) -> (i32)  : i32 {
      %mul3A_307 = arith.constant 16 : i32
      %mul3A_308 = arith.muli %scan3A_305, %mul3A_307 : i32
      %add3A_309 = arith.constant 256 : i32
      %add3A_310 = arith.addi %add3A_309, %mul3A_308 : i32
      %add3A_311 = vector.broadcast %add3A_310 : i32 to vector<16xi32>
      %add3A_312 = arith.addi %add3A_311, %iota3A : vector<16xi32>
      %scan3A_313 = arith.constant 0 : i32
      %scan3A_314 = arith.constant 8 : i32
      %scan3A_315 = arith.addi %scan3A_313, %scan3A_314 : i32
      %scan3A_316 = arith.constant 1 : i32
      %scan3A_317:4 = scf.for %scan3A_334 = %scan3A_313 to %scan3A_315 step %scan3A_316 iter_args(%scan3A_335 = %broadcast_in_dim3A_0, %scan3A_336 = %broadcast_in_dim3A_0, %scan3A_337 = %broadcast_in_dim3A_0, %scan3A_338 = %broadcast_in_dim3A_0) -> (vector<16xf32>, vector<16xf32>, vector<16xf32>, vector<16xf32>)  : i32 {
        %broadcast_in_dim3A_339 = arith.constant 0 : i32
        %broadcast_in_dim3A_340 = vector.broadcast %broadcast_in_dim3A_339 : i32 to vector<16xi32>
        %mul3A_341 = arith.constant 8 : i32
        %mul3A_342 = arith.muli %scan3A_334, %mul3A_341 : i32
        %add3A_343 = arith.constant 0 : i32
        %add3A_344 = arith.addi %mul3A_342, %add3A_343 : i32
        %add3A_345 = vector.broadcast %add3A_344 : i32 to vector<16xi32>
        %add3A_346 = arith.addi %broadcast_in_dim3A_340, %add3A_345 : vector<16xi32>
        %gather3A = tpu.vector_load_idx %arg9[%add3A_312, %add3A_346] : memref<512x72xi32, #tpu.memory_space<vmem>>[vector<16xi32>, vector<16xi32>], vector<16xi32>,
        %gather3A_347 = tpu.vector_load_idx %arg10[%add3A_312, %add3A_346] : memref<512x72xf32, #tpu.memory_space<vmem>>[vector<16xi32>, vector<16xi32>], vector<16xf32>,
        %sub3A = arith.constant 0 : i32
        %sub3A_348 = vector.broadcast %sub3A : i32 to vector<16xi32>
        %sub3A_349 = arith.subi %gather3A, %sub3A_348 : vector<16xi32>
        %gather3A_350 = tpu.vector_load_idx %arg11[%sub3A_349] : memref<8192xf32, #tpu.memory_space<vmem>>[vector<16xi32>], vector<16xf32>,
        %mul3A_351 = arith.mulf %gather3A_350, %gather3A_347 : vector<16xf32>
        %add3A_352 = arith.addf %scan3A_335, %mul3A_351 : vector<16xf32>
        %broadcast_in_dim3A_353 = arith.constant 0 : i32
        %broadcast_in_dim3A_354 = vector.broadcast %broadcast_in_dim3A_353 : i32 to vector<16xi32>
        %mul3A_355 = arith.constant 8 : i32
        %mul3A_356 = arith.muli %scan3A_334, %mul3A_355 : i32
        %add3A_357 = arith.constant 1 : i32
        %add3A_358 = arith.addi %mul3A_356, %add3A_357 : i32
        %add3A_359 = vector.broadcast %add3A_358 : i32 to vector<16xi32>
        %add3A_360 = arith.addi %broadcast_in_dim3A_354, %add3A_359 : vector<16xi32>
        %gather3A_361 = tpu.vector_load_idx %arg9[%add3A_312, %add3A_360] : memref<512x72xi32, #tpu.memory_space<vmem>>[vector<16xi32>, vector<16xi32>], vector<16xi32>,
        %gather3A_362 = tpu.vector_load_idx %arg10[%add3A_312, %add3A_360] : memref<512x72xf32, #tpu.memory_space<vmem>>[vector<16xi32>, vector<16xi32>], vector<16xf32>,
        %sub3A_363 = arith.constant 0 : i32
        %sub3A_364 = vector.broadcast %sub3A_363 : i32 to vector<16xi32>
        %sub3A_365 = arith.subi %gather3A_361, %sub3A_364 : vector<16xi32>
        %gather3A_366 = tpu.vector_load_idx %arg11[%sub3A_365] : memref<8192xf32, #tpu.memory_space<vmem>>[vector<16xi32>], vector<16xf32>,
        %mul3A_367 = arith.mulf %gather3A_366, %gather3A_362 : vector<16xf32>
        %add3A_368 = arith.addf %scan3A_336, %mul3A_367 : vector<16xf32>
        %broadcast_in_dim3A_369 = arith.constant 0 : i32
        %broadcast_in_dim3A_370 = vector.broadcast %broadcast_in_dim3A_369 : i32 to vector<16xi32>
        %mul3A_371 = arith.constant 8 : i32
        %mul3A_372 = arith.muli %scan3A_334, %mul3A_371 : i32
        %add3A_373 = arith.constant 2 : i32
        %add3A_374 = arith.addi %mul3A_372, %add3A_373 : i32
        %add3A_375 = vector.broadcast %add3A_374 : i32 to vector<16xi32>
        %add3A_376 = arith.addi %broadcast_in_dim3A_370, %add3A_375 : vector<16xi32>
        %gather3A_377 = tpu.vector_load_idx %arg9[%add3A_312, %add3A_376] : memref<512x72xi32, #tpu.memory_space<vmem>>[vector<16xi32>, vector<16xi32>], vector<16xi32>,
        %gather3A_378 = tpu.vector_load_idx %arg10[%add3A_312, %add3A_376] : memref<512x72xf32, #tpu.memory_space<vmem>>[vector<16xi32>, vector<16xi32>], vector<16xf32>,
        %sub3A_379 = arith.constant 0 : i32
        %sub3A_380 = vector.broadcast %sub3A_379 : i32 to vector<16xi32>
        %sub3A_381 = arith.subi %gather3A_377, %sub3A_380 : vector<16xi32>
        %gather3A_382 = tpu.vector_load_idx %arg11[%sub3A_381] : memref<8192xf32, #tpu.memory_space<vmem>>[vector<16xi32>], vector<16xf32>,
        %mul3A_383 = arith.mulf %gather3A_382, %gather3A_378 : vector<16xf32>
        %add3A_384 = arith.addf %scan3A_337, %mul3A_383 : vector<16xf32>
        %broadcast_in_dim3A_385 = arith.constant 0 : i32
        %broadcast_in_dim3A_386 = vector.broadcast %broadcast_in_dim3A_385 : i32 to vector<16xi32>
        %mul3A_387 = arith.constant 8 : i32
        %mul3A_388 = arith.muli %scan3A_334, %mul3A_387 : i32
        %add3A_389 = arith.constant 3 : i32
        %add3A_390 = arith.addi %mul3A_388, %add3A_389 : i32
        %add3A_391 = vector.broadcast %add3A_390 : i32 to vector<16xi32>
        %add3A_392 = arith.addi %broadcast_in_dim3A_386, %add3A_391 : vector<16xi32>
        %gather3A_393 = tpu.vector_load_idx %arg9[%add3A_312, %add3A_392] : memref<512x72xi32, #tpu.memory_space<vmem>>[vector<16xi32>, vector<16xi32>], vector<16xi32>,
        %gather3A_394 = tpu.vector_load_idx %arg10[%add3A_312, %add3A_392] : memref<512x72xf32, #tpu.memory_space<vmem>>[vector<16xi32>, vector<16xi32>], vector<16xf32>,
        %sub3A_395 = arith.constant 0 : i32
        %sub3A_396 = vector.broadcast %sub3A_395 : i32 to vector<16xi32>
        %sub3A_397 = arith.subi %gather3A_393, %sub3A_396 : vector<16xi32>
        %gather3A_398 = tpu.vector_load_idx %arg11[%sub3A_397] : memref<8192xf32, #tpu.memory_space<vmem>>[vector<16xi32>], vector<16xf32>,
        %mul3A_399 = arith.mulf %gather3A_398, %gather3A_394 : vector<16xf32>
        %add3A_400 = arith.addf %scan3A_338, %mul3A_399 : vector<16xf32>
        %broadcast_in_dim3A_401 = arith.constant 0 : i32
        %broadcast_in_dim3A_402 = vector.broadcast %broadcast_in_dim3A_401 : i32 to vector<16xi32>
        %mul3A_403 = arith.constant 8 : i32
        %mul3A_404 = arith.muli %scan3A_334, %mul3A_403 : i32
        %add3A_405 = arith.constant 4 : i32
        %add3A_406 = arith.addi %mul3A_404, %add3A_405 : i32
        %add3A_407 = vector.broadcast %add3A_406 : i32 to vector<16xi32>
        %add3A_408 = arith.addi %broadcast_in_dim3A_402, %add3A_407 : vector<16xi32>
        %gather3A_409 = tpu.vector_load_idx %arg9[%add3A_312, %add3A_408] : memref<512x72xi32, #tpu.memory_space<vmem>>[vector<16xi32>, vector<16xi32>], vector<16xi32>,
        %gather3A_410 = tpu.vector_load_idx %arg10[%add3A_312, %add3A_408] : memref<512x72xf32, #tpu.memory_space<vmem>>[vector<16xi32>, vector<16xi32>], vector<16xf32>,
        %sub3A_411 = arith.constant 0 : i32
        %sub3A_412 = vector.broadcast %sub3A_411 : i32 to vector<16xi32>
        %sub3A_413 = arith.subi %gather3A_409, %sub3A_412 : vector<16xi32>
        %gather3A_414 = tpu.vector_load_idx %arg11[%sub3A_413] : memref<8192xf32, #tpu.memory_space<vmem>>[vector<16xi32>], vector<16xf32>,
        %mul3A_415 = arith.mulf %gather3A_414, %gather3A_410 : vector<16xf32>
        %add3A_416 = arith.addf %add3A_352, %mul3A_415 : vector<16xf32>
        %broadcast_in_dim3A_417 = arith.constant 0 : i32
        %broadcast_in_dim3A_418 = vector.broadcast %broadcast_in_dim3A_417 : i32 to vector<16xi32>
        %mul3A_419 = arith.constant 8 : i32
        %mul3A_420 = arith.muli %scan3A_334, %mul3A_419 : i32
        %add3A_421 = arith.constant 5 : i32
        %add3A_422 = arith.addi %mul3A_420, %add3A_421 : i32
        %add3A_423 = vector.broadcast %add3A_422 : i32 to vector<16xi32>
        %add3A_424 = arith.addi %broadcast_in_dim3A_418, %add3A_423 : vector<16xi32>
        %gather3A_425 = tpu.vector_load_idx %arg9[%add3A_312, %add3A_424] : memref<512x72xi32, #tpu.memory_space<vmem>>[vector<16xi32>, vector<16xi32>], vector<16xi32>,
        %gather3A_426 = tpu.vector_load_idx %arg10[%add3A_312, %add3A_424] : memref<512x72xf32, #tpu.memory_space<vmem>>[vector<16xi32>, vector<16xi32>], vector<16xf32>,
        %sub3A_427 = arith.constant 0 : i32
        %sub3A_428 = vector.broadcast %sub3A_427 : i32 to vector<16xi32>
        %sub3A_429 = arith.subi %gather3A_425, %sub3A_428 : vector<16xi32>
        %gather3A_430 = tpu.vector_load_idx %arg11[%sub3A_429] : memref<8192xf32, #tpu.memory_space<vmem>>[vector<16xi32>], vector<16xf32>,
        %mul3A_431 = arith.mulf %gather3A_430, %gather3A_426 : vector<16xf32>
        %add3A_432 = arith.addf %add3A_368, %mul3A_431 : vector<16xf32>
        %broadcast_in_dim3A_433 = arith.constant 0 : i32
        %broadcast_in_dim3A_434 = vector.broadcast %broadcast_in_dim3A_433 : i32 to vector<16xi32>
        %mul3A_435 = arith.constant 8 : i32
        %mul3A_436 = arith.muli %scan3A_334, %mul3A_435 : i32
        %add3A_437 = arith.constant 6 : i32
        %add3A_438 = arith.addi %mul3A_436, %add3A_437 : i32
        %add3A_439 = vector.broadcast %add3A_438 : i32 to vector<16xi32>
        %add3A_440 = arith.addi %broadcast_in_dim3A_434, %add3A_439 : vector<16xi32>
        %gather3A_441 = tpu.vector_load_idx %arg9[%add3A_312, %add3A_440] : memref<512x72xi32, #tpu.memory_space<vmem>>[vector<16xi32>, vector<16xi32>], vector<16xi32>,
        %gather3A_442 = tpu.vector_load_idx %arg10[%add3A_312, %add3A_440] : memref<512x72xf32, #tpu.memory_space<vmem>>[vector<16xi32>, vector<16xi32>], vector<16xf32>,
        %sub3A_443 = arith.constant 0 : i32
        %sub3A_444 = vector.broadcast %sub3A_443 : i32 to vector<16xi32>
        %sub3A_445 = arith.subi %gather3A_441, %sub3A_444 : vector<16xi32>
        %gather3A_446 = tpu.vector_load_idx %arg11[%sub3A_445] : memref<8192xf32, #tpu.memory_space<vmem>>[vector<16xi32>], vector<16xf32>,
        %mul3A_447 = arith.mulf %gather3A_446, %gather3A_442 : vector<16xf32>
        %add3A_448 = arith.addf %add3A_384, %mul3A_447 : vector<16xf32>
        %broadcast_in_dim3A_449 = arith.constant 0 : i32
        %broadcast_in_dim3A_450 = vector.broadcast %broadcast_in_dim3A_449 : i32 to vector<16xi32>
        %mul3A_451 = arith.constant 8 : i32
        %mul3A_452 = arith.muli %scan3A_334, %mul3A_451 : i32
        %add3A_453 = arith.constant 7 : i32
        %add3A_454 = arith.addi %mul3A_452, %add3A_453 : i32
        %add3A_455 = vector.broadcast %add3A_454 : i32 to vector<16xi32>
        %add3A_456 = arith.addi %broadcast_in_dim3A_450, %add3A_455 : vector<16xi32>
        %gather3A_457 = tpu.vector_load_idx %arg9[%add3A_312, %add3A_456] : memref<512x72xi32, #tpu.memory_space<vmem>>[vector<16xi32>, vector<16xi32>], vector<16xi32>,
        %gather3A_458 = tpu.vector_load_idx %arg10[%add3A_312, %add3A_456] : memref<512x72xf32, #tpu.memory_space<vmem>>[vector<16xi32>, vector<16xi32>], vector<16xf32>,
        %sub3A_459 = arith.constant 0 : i32
        %sub3A_460 = vector.broadcast %sub3A_459 : i32 to vector<16xi32>
        %sub3A_461 = arith.subi %gather3A_457, %sub3A_460 : vector<16xi32>
        %gather3A_462 = tpu.vector_load_idx %arg11[%sub3A_461] : memref<8192xf32, #tpu.memory_space<vmem>>[vector<16xi32>], vector<16xf32>,
        %mul3A_463 = arith.mulf %gather3A_462, %gather3A_458 : vector<16xf32>
        %add3A_464 = arith.addf %add3A_400, %mul3A_463 : vector<16xf32>
        scf.yield %add3A_416, %add3A_432, %add3A_448, %add3A_464 : vector<16xf32>, vector<16xf32>, vector<16xf32>, vector<16xf32>
      }
      %scan3A_318 = arith.constant 8 : i32
      %add3A_319 = arith.addf %scan3A_317#0, %scan3A_317#1 : vector<16xf32>
      %add3A_320 = arith.addf %scan3A_317#2, %scan3A_317#3 : vector<16xf32>
      %add3A_321 = arith.addf %add3A_319, %add3A_320 : vector<16xf32>
      %mul3A_322 = arith.constant 16 : i32
      %mul3A_323 = arith.muli %scan3A_305, %mul3A_322 : i32
      %add3A_324 = arith.constant 256 : i32
      %add3A_325 = arith.addi %add3A_324, %mul3A_323 : i32
      %add3A_326 = arith.constant 0 : i32
      %add3A_327 = arith.addi %add3A_326, %add3A_325 : i32
      %get3A = arith.index_cast %add3A_327 : i32 to index
      %get3A_328 = tpu.vector_load %arg12[%get3A] {strides = array<i32>} : memref<1280xf32, #tpu.memory_space<vmem>>, vector<16xf32>,
      %add3A_329 = arith.addf %add3A_321, %get3A_328 : vector<16xf32>
      %max3A = arith.constant 0.000000e+00 : f32
      %max3A_330 = vector.broadcast %max3A : f32 to vector<16xf32>
      %max3A_331 = arith.maximumf %add3A_329, %max3A_330 : vector<16xf32>
      %swap3A = arith.index_cast %add3A_325 : i32 to index
      %swap3A_332 = tpu.vector_load %arg13[%swap3A] {strides = array<i32>} : memref<512xf32, #tpu.memory_space<vmem>>, vector<16xf32>,
      tpu.vector_store %arg13[%swap3A], %max3A_331 {strides = array<i32>} : memref<512xf32, #tpu.memory_space<vmem>>, vector<16xf32>,
      %scan3A_333 = arith.constant 0 : i32
      scf.yield %scan3A_333 : i32
    }
    %scan3A_155 = arith.constant 16 : i32
    %mul3A_156 = arith.constant 512 : i32
    %mul3A_157 = arith.muli %arg1, %mul3A_156 : i32
    %add3A_158 = arith.constant 8192 : i32
    %add3A_159 = arith.addi %add3A_158, %mul3A_157 : i32
    %dma_start3A_160 = arith.constant 0 : i32
    %dma_start3A_161 = arith.constant 0 : i32
    %dma_start3A_162 = tpu.memref_slice %arg9[%dma_start3A_160, %dma_start3A_161] : memref<512x72xi32, #tpu.memory_space<vmem>> -> memref<512x64xi32, #tpu.memory_space<vmem>>
    %dma_start3A_163 = arith.constant 0 : i32
    %dma_start3A_164 = tpu.memref_slice %arg3[%add3A_159, %dma_start3A_163] : memref<20480x64xi32, #tpu.memory_space<hbm>> -> memref<512x64xi32, #tpu.memory_space<hbm>>
    %dma_start3A_165 = arith.constant 0 : i32
    %dma_start3A_166 = arith.constant 0 : i32
    %dma_start3A_167 = tpu.memref_slice %arg9[%dma_start3A_165, %dma_start3A_166] : memref<512x72xi32, #tpu.memory_space<vmem>> -> memref<512x64xi32, #tpu.memory_space<vmem>>
    %dma_start3A_168 = arith.constant 0 : i32
    %dma_start3A_169 = tpu.memref_slice %arg3[%add3A_159, %dma_start3A_168] : memref<20480x64xi32, #tpu.memory_space<hbm>> -> memref<512x64xi32, #tpu.memory_space<hbm>>
    tpu.enqueue_dma source(%dma_start3A_169 : memref<512x64xi32, #tpu.memory_space<hbm>>) target(%dma_start3A_167 : memref<512x64xi32, #tpu.memory_space<vmem>>) target_semaphore(%arg14 : memref<!tpu.dma_semaphore, #tpu.memory_space<semaphore_mem>>)
    %dma_start3A_170 = arith.constant 0 : i32
    %dma_start3A_171 = arith.constant 0 : i32
    %dma_start3A_172 = tpu.memref_slice %arg10[%dma_start3A_170, %dma_start3A_171] : memref<512x72xf32, #tpu.memory_space<vmem>> -> memref<512x64xf32, #tpu.memory_space<vmem>>
    %dma_start3A_173 = arith.constant 0 : i32
    %dma_start3A_174 = tpu.memref_slice %arg4[%add3A_159, %dma_start3A_173] : memref<20480x64xf32, #tpu.memory_space<hbm>> -> memref<512x64xf32, #tpu.memory_space<hbm>>
    %dma_start3A_175 = arith.constant 0 : i32
    %dma_start3A_176 = arith.constant 0 : i32
    %dma_start3A_177 = tpu.memref_slice %arg10[%dma_start3A_175, %dma_start3A_176] : memref<512x72xf32, #tpu.memory_space<vmem>> -> memref<512x64xf32, #tpu.memory_space<vmem>>
    %dma_start3A_178 = arith.constant 0 : i32
    %dma_start3A_179 = tpu.memref_slice %arg4[%add3A_159, %dma_start3A_178] : memref<20480x64xf32, #tpu.memory_space<hbm>> -> memref<512x64xf32, #tpu.memory_space<hbm>>
    tpu.enqueue_dma source(%dma_start3A_179 : memref<512x64xf32, #tpu.memory_space<hbm>>) target(%dma_start3A_177 : memref<512x64xf32, #tpu.memory_space<vmem>>) target_semaphore(%arg16 : memref<!tpu.dma_semaphore, #tpu.memory_space<semaphore_mem>>)
    %mul3A_180 = arith.constant 512 : i32
    %mul3A_181 = arith.muli %arg1, %mul3A_180 : i32
    %dma_start3A_182 = tpu.memref_slice %arg6[%arg0, %mul3A_181] : memref<2x8192xf32, #tpu.memory_space<hbm>> -> memref<1x512xf32, #tpu.memory_space<hbm>>
    %dma_start3A_183 = tpu.memref_squeeze %dma_start3A_182 : memref<1x512xf32, #tpu.memory_space<hbm>> -> memref<512xf32, #tpu.memory_space<hbm>>
    %dma_start3A_184 = tpu.memref_slice %arg6[%arg0, %mul3A_181] : memref<2x8192xf32, #tpu.memory_space<hbm>> -> memref<1x512xf32, #tpu.memory_space<hbm>>
    %dma_start3A_185 = tpu.memref_squeeze %dma_start3A_184 : memref<1x512xf32, #tpu.memory_space<hbm>> -> memref<512xf32, #tpu.memory_space<hbm>>
    tpu.enqueue_dma source(%arg13 : memref<512xf32, #tpu.memory_space<vmem>>) target(%dma_start3A_185 : memref<512xf32, #tpu.memory_space<hbm>>) target_semaphore(%arg18 : memref<!tpu.dma_semaphore, #tpu.memory_space<semaphore_mem>>)
    %dma_wait3A_186 = tpu.memref_slice %arg6[%arg0, %mul3A_181] : memref<2x8192xf32, #tpu.memory_space<hbm>> -> memref<1x512xf32, #tpu.memory_space<hbm>>
    %dma_wait3A_187 = tpu.memref_squeeze %dma_wait3A_186 : memref<1x512xf32, #tpu.memory_space<hbm>> -> memref<512xf32, #tpu.memory_space<hbm>>
    %dma_wait3A_188 = tpu.memref_slice %arg6[%arg0, %mul3A_181] : memref<2x8192xf32, #tpu.memory_space<hbm>> -> memref<1x512xf32, #tpu.memory_space<hbm>>
    %dma_wait3A_189 = tpu.memref_squeeze %dma_wait3A_188 : memref<1x512xf32, #tpu.memory_space<hbm>> -> memref<512xf32, #tpu.memory_space<hbm>>
    tpu.wait_dma2 semaphore(%arg18 : memref<!tpu.dma_semaphore, #tpu.memory_space<semaphore_mem>>) src(%arg13 : memref<512xf32, #tpu.memory_space<vmem>>) dst(%dma_wait3A_189 : memref<512xf32, #tpu.memory_space<hbm>>)
    %barrier3A = arith.constant 0 : index
    tpu.barrier barrier_id(%barrier3A)
    %dma_start3A_190 = arith.constant 0 : i32
    %dma_start3A_191 = tpu.memref_slice %arg6[%arg0, %dma_start3A_190] : memref<2x8192xf32, #tpu.memory_space<hbm>> -> memref<1x8192xf32, #tpu.memory_space<hbm>>
    %dma_start3A_192 = tpu.memref_squeeze %dma_start3A_191 : memref<1x8192xf32, #tpu.memory_space<hbm>> -> memref<8192xf32, #tpu.memory_space<hbm>>
    %dma_start3A_193 = arith.constant 0 : i32
    %dma_start3A_194 = tpu.memref_slice %arg6[%arg0, %dma_start3A_193] : memref<2x8192xf32, #tpu.memory_space<hbm>> -> memref<1x8192xf32, #tpu.memory_space<hbm>>
    %dma_start3A_195 = tpu.memref_squeeze %dma_start3A_194 : memref<1x8192xf32, #tpu.memory_space<hbm>> -> memref<8192xf32, #tpu.memory_space<hbm>>
    tpu.enqueue_dma source(%dma_start3A_195 : memref<8192xf32, #tpu.memory_space<hbm>>) target(%arg11 : memref<8192xf32, #tpu.memory_space<vmem>>) target_semaphore(%arg18 : memref<!tpu.dma_semaphore, #tpu.memory_space<semaphore_mem>>)
    %dma_wait3A_196 = arith.constant 0 : i32
    %dma_wait3A_197 = tpu.memref_slice %arg6[%arg0, %dma_wait3A_196] : memref<2x8192xf32, #tpu.memory_space<hbm>> -> memref<1x8192xf32, #tpu.memory_space<hbm>>
    %dma_wait3A_198 = tpu.memref_squeeze %dma_wait3A_197 : memref<1x8192xf32, #tpu.memory_space<hbm>> -> memref<8192xf32, #tpu.memory_space<hbm>>
    %dma_wait3A_199 = arith.constant 0 : i32
    %dma_wait3A_200 = tpu.memref_slice %arg6[%arg0, %dma_wait3A_199] : memref<2x8192xf32, #tpu.memory_space<hbm>> -> memref<1x8192xf32, #tpu.memory_space<hbm>>
    %dma_wait3A_201 = tpu.memref_squeeze %dma_wait3A_200 : memref<1x8192xf32, #tpu.memory_space<hbm>> -> memref<8192xf32, #tpu.memory_space<hbm>>
    tpu.wait_dma2 semaphore(%arg18 : memref<!tpu.dma_semaphore, #tpu.memory_space<semaphore_mem>>) src(%dma_wait3A_201 : memref<8192xf32, #tpu.memory_space<hbm>>) dst(%arg11 : memref<8192xf32, #tpu.memory_space<vmem>>)
    %dma_wait3A_202 = arith.constant 0 : i32
    %dma_wait3A_203 = arith.constant 0 : i32
    %dma_wait3A_204 = tpu.memref_slice %arg9[%dma_wait3A_202, %dma_wait3A_203] : memref<512x72xi32, #tpu.memory_space<vmem>> -> memref<512x64xi32, #tpu.memory_space<vmem>>
    %dma_wait3A_205 = arith.constant 0 : i32
    %dma_wait3A_206 = tpu.memref_slice %arg3[%add3A_159, %dma_wait3A_205] : memref<20480x64xi32, #tpu.memory_space<hbm>> -> memref<512x64xi32, #tpu.memory_space<hbm>>
    %dma_wait3A_207 = arith.constant 0 : i32
    %dma_wait3A_208 = arith.constant 0 : i32
    %dma_wait3A_209 = tpu.memref_slice %arg9[%dma_wait3A_207, %dma_wait3A_208] : memref<512x72xi32, #tpu.memory_space<vmem>> -> memref<512x64xi32, #tpu.memory_space<vmem>>
    %dma_wait3A_210 = arith.constant 0 : i32
    %dma_wait3A_211 = tpu.memref_slice %arg3[%add3A_159, %dma_wait3A_210] : memref<20480x64xi32, #tpu.memory_space<hbm>> -> memref<512x64xi32, #tpu.memory_space<hbm>>
    tpu.wait_dma2 semaphore(%arg14 : memref<!tpu.dma_semaphore, #tpu.memory_space<semaphore_mem>>) src(%dma_wait3A_211 : memref<512x64xi32, #tpu.memory_space<hbm>>) dst(%dma_wait3A_209 : memref<512x64xi32, #tpu.memory_space<vmem>>)
    %dma_wait3A_212 = arith.constant 0 : i32
    %dma_wait3A_213 = arith.constant 0 : i32
    %dma_wait3A_214 = tpu.memref_slice %arg10[%dma_wait3A_212, %dma_wait3A_213] : memref<512x72xf32, #tpu.memory_space<vmem>> -> memref<512x64xf32, #tpu.memory_space<vmem>>
    %dma_wait3A_215 = arith.constant 0 : i32
    %dma_wait3A_216 = tpu.memref_slice %arg4[%add3A_159, %dma_wait3A_215] : memref<20480x64xf32, #tpu.memory_space<hbm>> -> memref<512x64xf32, #tpu.memory_space<hbm>>
    %dma_wait3A_217 = arith.constant 0 : i32
    %dma_wait3A_218 = arith.constant 0 : i32
    %dma_wait3A_219 = tpu.memref_slice %arg10[%dma_wait3A_217, %dma_wait3A_218] : memref<512x72xf32, #tpu.memory_space<vmem>> -> memref<512x64xf32, #tpu.memory_space<vmem>>
    %dma_wait3A_220 = arith.constant 0 : i32
    %dma_wait3A_221 = tpu.memref_slice %arg4[%add3A_159, %dma_wait3A_220] : memref<20480x64xf32, #tpu.memory_space<hbm>> -> memref<512x64xf32, #tpu.memory_space<hbm>>
    tpu.wait_dma2 semaphore(%arg16 : memref<!tpu.dma_semaphore, #tpu.memory_space<semaphore_mem>>) src(%dma_wait3A_221 : memref<512x64xf32, #tpu.memory_space<hbm>>) dst(%dma_wait3A_219 : memref<512x64xf32, #tpu.memory_space<vmem>>)
    %scan3A_222 = arith.constant 0 : i32
    %scan3A_223 = arith.constant 0 : i32
    %scan3A_224 = arith.constant 32 : i32
    %scan3A_225 = arith.addi %scan3A_223, %scan3A_224 : i32
    %scan3A_226 = arith.constant 1 : i32
    %scan3A_227 = scf.for %scan3A_305 = %scan3A_223 to %scan3A_225 step %scan3A_226 iter_args(%scan3A_306 = %scan3A_222) -> (i32)  : i32 {
      %mul3A_307 = arith.constant 16 : i32
      %mul3A_308 = arith.muli %scan3A_305, %mul3A_307 : i32
      %add3A_309 = arith.constant 0 : i32
      %add3A_310 = arith.addi %add3A_309, %mul3A_308 : i32
      %add3A_311 = vector.broadcast %add3A_310 : i32 to vector<16xi32>
      %add3A_312 = arith.addi %add3A_311, %iota3A : vector<16xi32>
      %scan3A_313 = arith.constant 0 : i32
      %scan3A_314 = arith.constant 8 : i32
      %scan3A_315 = arith.addi %scan3A_313, %scan3A_314 : i32
      %scan3A_316 = arith.constant 1 : i32
      %scan3A_317:4 = scf.for %scan3A_334 = %scan3A_313 to %scan3A_315 step %scan3A_316 iter_args(%scan3A_335 = %broadcast_in_dim3A_0, %scan3A_336 = %broadcast_in_dim3A_0, %scan3A_337 = %broadcast_in_dim3A_0, %scan3A_338 = %broadcast_in_dim3A_0) -> (vector<16xf32>, vector<16xf32>, vector<16xf32>, vector<16xf32>)  : i32 {
        %broadcast_in_dim3A_339 = arith.constant 0 : i32
        %broadcast_in_dim3A_340 = vector.broadcast %broadcast_in_dim3A_339 : i32 to vector<16xi32>
        %mul3A_341 = arith.constant 8 : i32
        %mul3A_342 = arith.muli %scan3A_334, %mul3A_341 : i32
        %add3A_343 = arith.constant 0 : i32
        %add3A_344 = arith.addi %mul3A_342, %add3A_343 : i32
        %add3A_345 = vector.broadcast %add3A_344 : i32 to vector<16xi32>
        %add3A_346 = arith.addi %broadcast_in_dim3A_340, %add3A_345 : vector<16xi32>
        %gather3A = tpu.vector_load_idx %arg9[%add3A_312, %add3A_346] : memref<512x72xi32, #tpu.memory_space<vmem>>[vector<16xi32>, vector<16xi32>], vector<16xi32>,
        %gather3A_347 = tpu.vector_load_idx %arg10[%add3A_312, %add3A_346] : memref<512x72xf32, #tpu.memory_space<vmem>>[vector<16xi32>, vector<16xi32>], vector<16xf32>,
        %sub3A = arith.constant 4096 : i32
        %sub3A_348 = vector.broadcast %sub3A : i32 to vector<16xi32>
        %sub3A_349 = arith.subi %gather3A, %sub3A_348 : vector<16xi32>
        %gather3A_350 = tpu.vector_load_idx %arg11[%sub3A_349] : memref<8192xf32, #tpu.memory_space<vmem>>[vector<16xi32>], vector<16xf32>,
        %mul3A_351 = arith.mulf %gather3A_350, %gather3A_347 : vector<16xf32>
        %add3A_352 = arith.addf %scan3A_335, %mul3A_351 : vector<16xf32>
        %broadcast_in_dim3A_353 = arith.constant 0 : i32
        %broadcast_in_dim3A_354 = vector.broadcast %broadcast_in_dim3A_353 : i32 to vector<16xi32>
        %mul3A_355 = arith.constant 8 : i32
        %mul3A_356 = arith.muli %scan3A_334, %mul3A_355 : i32
        %add3A_357 = arith.constant 1 : i32
        %add3A_358 = arith.addi %mul3A_356, %add3A_357 : i32
        %add3A_359 = vector.broadcast %add3A_358 : i32 to vector<16xi32>
        %add3A_360 = arith.addi %broadcast_in_dim3A_354, %add3A_359 : vector<16xi32>
        %gather3A_361 = tpu.vector_load_idx %arg9[%add3A_312, %add3A_360] : memref<512x72xi32, #tpu.memory_space<vmem>>[vector<16xi32>, vector<16xi32>], vector<16xi32>,
        %gather3A_362 = tpu.vector_load_idx %arg10[%add3A_312, %add3A_360] : memref<512x72xf32, #tpu.memory_space<vmem>>[vector<16xi32>, vector<16xi32>], vector<16xf32>,
        %sub3A_363 = arith.constant 4096 : i32
        %sub3A_364 = vector.broadcast %sub3A_363 : i32 to vector<16xi32>
        %sub3A_365 = arith.subi %gather3A_361, %sub3A_364 : vector<16xi32>
        %gather3A_366 = tpu.vector_load_idx %arg11[%sub3A_365] : memref<8192xf32, #tpu.memory_space<vmem>>[vector<16xi32>], vector<16xf32>,
        %mul3A_367 = arith.mulf %gather3A_366, %gather3A_362 : vector<16xf32>
        %add3A_368 = arith.addf %scan3A_336, %mul3A_367 : vector<16xf32>
        %broadcast_in_dim3A_369 = arith.constant 0 : i32
        %broadcast_in_dim3A_370 = vector.broadcast %broadcast_in_dim3A_369 : i32 to vector<16xi32>
        %mul3A_371 = arith.constant 8 : i32
        %mul3A_372 = arith.muli %scan3A_334, %mul3A_371 : i32
        %add3A_373 = arith.constant 2 : i32
        %add3A_374 = arith.addi %mul3A_372, %add3A_373 : i32
        %add3A_375 = vector.broadcast %add3A_374 : i32 to vector<16xi32>
        %add3A_376 = arith.addi %broadcast_in_dim3A_370, %add3A_375 : vector<16xi32>
        %gather3A_377 = tpu.vector_load_idx %arg9[%add3A_312, %add3A_376] : memref<512x72xi32, #tpu.memory_space<vmem>>[vector<16xi32>, vector<16xi32>], vector<16xi32>,
        %gather3A_378 = tpu.vector_load_idx %arg10[%add3A_312, %add3A_376] : memref<512x72xf32, #tpu.memory_space<vmem>>[vector<16xi32>, vector<16xi32>], vector<16xf32>,
        %sub3A_379 = arith.constant 4096 : i32
        %sub3A_380 = vector.broadcast %sub3A_379 : i32 to vector<16xi32>
        %sub3A_381 = arith.subi %gather3A_377, %sub3A_380 : vector<16xi32>
        %gather3A_382 = tpu.vector_load_idx %arg11[%sub3A_381] : memref<8192xf32, #tpu.memory_space<vmem>>[vector<16xi32>], vector<16xf32>,
        %mul3A_383 = arith.mulf %gather3A_382, %gather3A_378 : vector<16xf32>
        %add3A_384 = arith.addf %scan3A_337, %mul3A_383 : vector<16xf32>
        %broadcast_in_dim3A_385 = arith.constant 0 : i32
        %broadcast_in_dim3A_386 = vector.broadcast %broadcast_in_dim3A_385 : i32 to vector<16xi32>
        %mul3A_387 = arith.constant 8 : i32
        %mul3A_388 = arith.muli %scan3A_334, %mul3A_387 : i32
        %add3A_389 = arith.constant 3 : i32
        %add3A_390 = arith.addi %mul3A_388, %add3A_389 : i32
        %add3A_391 = vector.broadcast %add3A_390 : i32 to vector<16xi32>
        %add3A_392 = arith.addi %broadcast_in_dim3A_386, %add3A_391 : vector<16xi32>
        %gather3A_393 = tpu.vector_load_idx %arg9[%add3A_312, %add3A_392] : memref<512x72xi32, #tpu.memory_space<vmem>>[vector<16xi32>, vector<16xi32>], vector<16xi32>,
        %gather3A_394 = tpu.vector_load_idx %arg10[%add3A_312, %add3A_392] : memref<512x72xf32, #tpu.memory_space<vmem>>[vector<16xi32>, vector<16xi32>], vector<16xf32>,
        %sub3A_395 = arith.constant 4096 : i32
        %sub3A_396 = vector.broadcast %sub3A_395 : i32 to vector<16xi32>
        %sub3A_397 = arith.subi %gather3A_393, %sub3A_396 : vector<16xi32>
        %gather3A_398 = tpu.vector_load_idx %arg11[%sub3A_397] : memref<8192xf32, #tpu.memory_space<vmem>>[vector<16xi32>], vector<16xf32>,
        %mul3A_399 = arith.mulf %gather3A_398, %gather3A_394 : vector<16xf32>
        %add3A_400 = arith.addf %scan3A_338, %mul3A_399 : vector<16xf32>
        %broadcast_in_dim3A_401 = arith.constant 0 : i32
        %broadcast_in_dim3A_402 = vector.broadcast %broadcast_in_dim3A_401 : i32 to vector<16xi32>
        %mul3A_403 = arith.constant 8 : i32
        %mul3A_404 = arith.muli %scan3A_334, %mul3A_403 : i32
        %add3A_405 = arith.constant 4 : i32
        %add3A_406 = arith.addi %mul3A_404, %add3A_405 : i32
        %add3A_407 = vector.broadcast %add3A_406 : i32 to vector<16xi32>
        %add3A_408 = arith.addi %broadcast_in_dim3A_402, %add3A_407 : vector<16xi32>
        %gather3A_409 = tpu.vector_load_idx %arg9[%add3A_312, %add3A_408] : memref<512x72xi32, #tpu.memory_space<vmem>>[vector<16xi32>, vector<16xi32>], vector<16xi32>,
        %gather3A_410 = tpu.vector_load_idx %arg10[%add3A_312, %add3A_408] : memref<512x72xf32, #tpu.memory_space<vmem>>[vector<16xi32>, vector<16xi32>], vector<16xf32>,
        %sub3A_411 = arith.constant 4096 : i32
        %sub3A_412 = vector.broadcast %sub3A_411 : i32 to vector<16xi32>
        %sub3A_413 = arith.subi %gather3A_409, %sub3A_412 : vector<16xi32>
        %gather3A_414 = tpu.vector_load_idx %arg11[%sub3A_413] : memref<8192xf32, #tpu.memory_space<vmem>>[vector<16xi32>], vector<16xf32>,
        %mul3A_415 = arith.mulf %gather3A_414, %gather3A_410 : vector<16xf32>
        %add3A_416 = arith.addf %add3A_352, %mul3A_415 : vector<16xf32>
        %broadcast_in_dim3A_417 = arith.constant 0 : i32
        %broadcast_in_dim3A_418 = vector.broadcast %broadcast_in_dim3A_417 : i32 to vector<16xi32>
        %mul3A_419 = arith.constant 8 : i32
        %mul3A_420 = arith.muli %scan3A_334, %mul3A_419 : i32
        %add3A_421 = arith.constant 5 : i32
        %add3A_422 = arith.addi %mul3A_420, %add3A_421 : i32
        %add3A_423 = vector.broadcast %add3A_422 : i32 to vector<16xi32>
        %add3A_424 = arith.addi %broadcast_in_dim3A_418, %add3A_423 : vector<16xi32>
        %gather3A_425 = tpu.vector_load_idx %arg9[%add3A_312, %add3A_424] : memref<512x72xi32, #tpu.memory_space<vmem>>[vector<16xi32>, vector<16xi32>], vector<16xi32>,
        %gather3A_426 = tpu.vector_load_idx %arg10[%add3A_312, %add3A_424] : memref<512x72xf32, #tpu.memory_space<vmem>>[vector<16xi32>, vector<16xi32>], vector<16xf32>,
        %sub3A_427 = arith.constant 4096 : i32
        %sub3A_428 = vector.broadcast %sub3A_427 : i32 to vector<16xi32>
        %sub3A_429 = arith.subi %gather3A_425, %sub3A_428 : vector<16xi32>
        %gather3A_430 = tpu.vector_load_idx %arg11[%sub3A_429] : memref<8192xf32, #tpu.memory_space<vmem>>[vector<16xi32>], vector<16xf32>,
        %mul3A_431 = arith.mulf %gather3A_430, %gather3A_426 : vector<16xf32>
        %add3A_432 = arith.addf %add3A_368, %mul3A_431 : vector<16xf32>
        %broadcast_in_dim3A_433 = arith.constant 0 : i32
        %broadcast_in_dim3A_434 = vector.broadcast %broadcast_in_dim3A_433 : i32 to vector<16xi32>
        %mul3A_435 = arith.constant 8 : i32
        %mul3A_436 = arith.muli %scan3A_334, %mul3A_435 : i32
        %add3A_437 = arith.constant 6 : i32
        %add3A_438 = arith.addi %mul3A_436, %add3A_437 : i32
        %add3A_439 = vector.broadcast %add3A_438 : i32 to vector<16xi32>
        %add3A_440 = arith.addi %broadcast_in_dim3A_434, %add3A_439 : vector<16xi32>
        %gather3A_441 = tpu.vector_load_idx %arg9[%add3A_312, %add3A_440] : memref<512x72xi32, #tpu.memory_space<vmem>>[vector<16xi32>, vector<16xi32>], vector<16xi32>,
        %gather3A_442 = tpu.vector_load_idx %arg10[%add3A_312, %add3A_440] : memref<512x72xf32, #tpu.memory_space<vmem>>[vector<16xi32>, vector<16xi32>], vector<16xf32>,
        %sub3A_443 = arith.constant 4096 : i32
        %sub3A_444 = vector.broadcast %sub3A_443 : i32 to vector<16xi32>
        %sub3A_445 = arith.subi %gather3A_441, %sub3A_444 : vector<16xi32>
        %gather3A_446 = tpu.vector_load_idx %arg11[%sub3A_445] : memref<8192xf32, #tpu.memory_space<vmem>>[vector<16xi32>], vector<16xf32>,
        %mul3A_447 = arith.mulf %gather3A_446, %gather3A_442 : vector<16xf32>
        %add3A_448 = arith.addf %add3A_384, %mul3A_447 : vector<16xf32>
        %broadcast_in_dim3A_449 = arith.constant 0 : i32
        %broadcast_in_dim3A_450 = vector.broadcast %broadcast_in_dim3A_449 : i32 to vector<16xi32>
        %mul3A_451 = arith.constant 8 : i32
        %mul3A_452 = arith.muli %scan3A_334, %mul3A_451 : i32
        %add3A_453 = arith.constant 7 : i32
        %add3A_454 = arith.addi %mul3A_452, %add3A_453 : i32
        %add3A_455 = vector.broadcast %add3A_454 : i32 to vector<16xi32>
        %add3A_456 = arith.addi %broadcast_in_dim3A_450, %add3A_455 : vector<16xi32>
        %gather3A_457 = tpu.vector_load_idx %arg9[%add3A_312, %add3A_456] : memref<512x72xi32, #tpu.memory_space<vmem>>[vector<16xi32>, vector<16xi32>], vector<16xi32>,
        %gather3A_458 = tpu.vector_load_idx %arg10[%add3A_312, %add3A_456] : memref<512x72xf32, #tpu.memory_space<vmem>>[vector<16xi32>, vector<16xi32>], vector<16xf32>,
        %sub3A_459 = arith.constant 4096 : i32
        %sub3A_460 = vector.broadcast %sub3A_459 : i32 to vector<16xi32>
        %sub3A_461 = arith.subi %gather3A_457, %sub3A_460 : vector<16xi32>
        %gather3A_462 = tpu.vector_load_idx %arg11[%sub3A_461] : memref<8192xf32, #tpu.memory_space<vmem>>[vector<16xi32>], vector<16xf32>,
        %mul3A_463 = arith.mulf %gather3A_462, %gather3A_458 : vector<16xf32>
        %add3A_464 = arith.addf %add3A_400, %mul3A_463 : vector<16xf32>
        scf.yield %add3A_416, %add3A_432, %add3A_448, %add3A_464 : vector<16xf32>, vector<16xf32>, vector<16xf32>, vector<16xf32>
      }
      %scan3A_318 = arith.constant 8 : i32
      %add3A_319 = arith.addf %scan3A_317#0, %scan3A_317#1 : vector<16xf32>
      %add3A_320 = arith.addf %scan3A_317#2, %scan3A_317#3 : vector<16xf32>
      %add3A_321 = arith.addf %add3A_319, %add3A_320 : vector<16xf32>
      %mul3A_322 = arith.constant 16 : i32
      %mul3A_323 = arith.muli %scan3A_305, %mul3A_322 : i32
      %add3A_324 = arith.constant 0 : i32
      %add3A_325 = arith.addi %add3A_324, %mul3A_323 : i32
      %add3A_326 = arith.constant 512 : i32
      %add3A_327 = arith.addi %add3A_326, %add3A_325 : i32
      %get3A = arith.index_cast %add3A_327 : i32 to index
      %get3A_328 = tpu.vector_load %arg12[%get3A] {strides = array<i32>} : memref<1280xf32, #tpu.memory_space<vmem>>, vector<16xf32>,
      %add3A_329 = arith.addf %add3A_321, %get3A_328 : vector<16xf32>
      %max3A = arith.constant 0.000000e+00 : f32
      %max3A_330 = vector.broadcast %max3A : f32 to vector<16xf32>
      %max3A_331 = arith.maximumf %add3A_329, %max3A_330 : vector<16xf32>
      %swap3A = arith.index_cast %add3A_325 : i32 to index
      %swap3A_332 = tpu.vector_load %arg13[%swap3A] {strides = array<i32>} : memref<512xf32, #tpu.memory_space<vmem>>, vector<16xf32>,
      tpu.vector_store %arg13[%swap3A], %max3A_331 {strides = array<i32>} : memref<512xf32, #tpu.memory_space<vmem>>, vector<16xf32>,
      %scan3A_333 = arith.constant 0 : i32
      scf.yield %scan3A_333 : i32
    }
    %scan3A_228 = arith.constant 32 : i32
    %mul3A_229 = arith.constant 256 : i32
    %mul3A_230 = arith.muli %arg1, %mul3A_229 : i32
    %add3A_231 = arith.constant 16384 : i32
    %add3A_232 = arith.addi %add3A_231, %mul3A_230 : i32
    %dma_start3A_233 = arith.constant 0 : i32
    %dma_start3A_234 = arith.constant 0 : i32
    %dma_start3A_235 = tpu.memref_slice %arg9[%dma_start3A_233, %dma_start3A_234] : memref<512x72xi32, #tpu.memory_space<vmem>> -> memref<256x64xi32, #tpu.memory_space<vmem>>
    %dma_start3A_236 = arith.constant 0 : i32
    %dma_start3A_237 = tpu.memref_slice %arg3[%add3A_232, %dma_start3A_236] : memref<20480x64xi32, #tpu.memory_space<hbm>> -> memref<256x64xi32, #tpu.memory_space<hbm>>
    %dma_start3A_238 = arith.constant 0 : i32
    %dma_start3A_239 = arith.constant 0 : i32
    %dma_start3A_240 = tpu.memref_slice %arg9[%dma_start3A_238, %dma_start3A_239] : memref<512x72xi32, #tpu.memory_space<vmem>> -> memref<256x64xi32, #tpu.memory_space<vmem>>
    %dma_start3A_241 = arith.constant 0 : i32
    %dma_start3A_242 = tpu.memref_slice %arg3[%add3A_232, %dma_start3A_241] : memref<20480x64xi32, #tpu.memory_space<hbm>> -> memref<256x64xi32, #tpu.memory_space<hbm>>
    tpu.enqueue_dma source(%dma_start3A_242 : memref<256x64xi32, #tpu.memory_space<hbm>>) target(%dma_start3A_240 : memref<256x64xi32, #tpu.memory_space<vmem>>) target_semaphore(%arg14 : memref<!tpu.dma_semaphore, #tpu.memory_space<semaphore_mem>>)
    %dma_start3A_243 = arith.constant 0 : i32
    %dma_start3A_244 = arith.constant 0 : i32
    %dma_start3A_245 = tpu.memref_slice %arg10[%dma_start3A_243, %dma_start3A_244] : memref<512x72xf32, #tpu.memory_space<vmem>> -> memref<256x64xf32, #tpu.memory_space<vmem>>
    %dma_start3A_246 = arith.constant 0 : i32
    %dma_start3A_247 = tpu.memref_slice %arg4[%add3A_232, %dma_start3A_246] : memref<20480x64xf32, #tpu.memory_space<hbm>> -> memref<256x64xf32, #tpu.memory_space<hbm>>
    %dma_start3A_248 = arith.constant 0 : i32
    %dma_start3A_249 = arith.constant 0 : i32
    %dma_start3A_250 = tpu.memref_slice %arg10[%dma_start3A_248, %dma_start3A_249] : memref<512x72xf32, #tpu.memory_space<vmem>> -> memref<256x64xf32, #tpu.memory_space<vmem>>
    %dma_start3A_251 = arith.constant 0 : i32
    %dma_start3A_252 = tpu.memref_slice %arg4[%add3A_232, %dma_start3A_251] : memref<20480x64xf32, #tpu.memory_space<hbm>> -> memref<256x64xf32, #tpu.memory_space<hbm>>
    tpu.enqueue_dma source(%dma_start3A_252 : memref<256x64xf32, #tpu.memory_space<hbm>>) target(%dma_start3A_250 : memref<256x64xf32, #tpu.memory_space<vmem>>) target_semaphore(%arg16 : memref<!tpu.dma_semaphore, #tpu.memory_space<semaphore_mem>>)
    %mul3A_253 = arith.constant 512 : i32
    %mul3A_254 = arith.muli %arg1, %mul3A_253 : i32
    %dma_start3A_255 = tpu.memref_slice %arg7[%arg0, %mul3A_254] : memref<2x8192xf32, #tpu.memory_space<hbm>> -> memref<1x512xf32, #tpu.memory_space<hbm>>
    %dma_start3A_256 = tpu.memref_squeeze %dma_start3A_255 : memref<1x512xf32, #tpu.memory_space<hbm>> -> memref<512xf32, #tpu.memory_space<hbm>>
    %dma_start3A_257 = tpu.memref_slice %arg7[%arg0, %mul3A_254] : memref<2x8192xf32, #tpu.memory_space<hbm>> -> memref<1x512xf32, #tpu.memory_space<hbm>>
    %dma_start3A_258 = tpu.memref_squeeze %dma_start3A_257 : memref<1x512xf32, #tpu.memory_space<hbm>> -> memref<512xf32, #tpu.memory_space<hbm>>
    tpu.enqueue_dma source(%arg13 : memref<512xf32, #tpu.memory_space<vmem>>) target(%dma_start3A_258 : memref<512xf32, #tpu.memory_space<hbm>>) target_semaphore(%arg18 : memref<!tpu.dma_semaphore, #tpu.memory_space<semaphore_mem>>)
    %dma_wait3A_259 = tpu.memref_slice %arg7[%arg0, %mul3A_254] : memref<2x8192xf32, #tpu.memory_space<hbm>> -> memref<1x512xf32, #tpu.memory_space<hbm>>
    %dma_wait3A_260 = tpu.memref_squeeze %dma_wait3A_259 : memref<1x512xf32, #tpu.memory_space<hbm>> -> memref<512xf32, #tpu.memory_space<hbm>>
    %dma_wait3A_261 = tpu.memref_slice %arg7[%arg0, %mul3A_254] : memref<2x8192xf32, #tpu.memory_space<hbm>> -> memref<1x512xf32, #tpu.memory_space<hbm>>
    %dma_wait3A_262 = tpu.memref_squeeze %dma_wait3A_261 : memref<1x512xf32, #tpu.memory_space<hbm>> -> memref<512xf32, #tpu.memory_space<hbm>>
    tpu.wait_dma2 semaphore(%arg18 : memref<!tpu.dma_semaphore, #tpu.memory_space<semaphore_mem>>) src(%arg13 : memref<512xf32, #tpu.memory_space<vmem>>) dst(%dma_wait3A_262 : memref<512xf32, #tpu.memory_space<hbm>>)
    %barrier3A_263 = arith.constant 0 : index
    tpu.barrier barrier_id(%barrier3A_263)
    %dma_start3A_264 = arith.constant 0 : i32
    %dma_start3A_265 = tpu.memref_slice %arg7[%arg0, %dma_start3A_264] : memref<2x8192xf32, #tpu.memory_space<hbm>> -> memref<1x8192xf32, #tpu.memory_space<hbm>>
    %dma_start3A_266 = tpu.memref_squeeze %dma_start3A_265 : memref<1x8192xf32, #tpu.memory_space<hbm>> -> memref<8192xf32, #tpu.memory_space<hbm>>
    %dma_start3A_267 = arith.constant 0 : i32
    %dma_start3A_268 = tpu.memref_slice %arg7[%arg0, %dma_start3A_267] : memref<2x8192xf32, #tpu.memory_space<hbm>> -> memref<1x8192xf32, #tpu.memory_space<hbm>>
    %dma_start3A_269 = tpu.memref_squeeze %dma_start3A_268 : memref<1x8192xf32, #tpu.memory_space<hbm>> -> memref<8192xf32, #tpu.memory_space<hbm>>
    tpu.enqueue_dma source(%dma_start3A_269 : memref<8192xf32, #tpu.memory_space<hbm>>) target(%arg11 : memref<8192xf32, #tpu.memory_space<vmem>>) target_semaphore(%arg18 : memref<!tpu.dma_semaphore, #tpu.memory_space<semaphore_mem>>)
    %dma_wait3A_270 = arith.constant 0 : i32
    %dma_wait3A_271 = tpu.memref_slice %arg7[%arg0, %dma_wait3A_270] : memref<2x8192xf32, #tpu.memory_space<hbm>> -> memref<1x8192xf32, #tpu.memory_space<hbm>>
    %dma_wait3A_272 = tpu.memref_squeeze %dma_wait3A_271 : memref<1x8192xf32, #tpu.memory_space<hbm>> -> memref<8192xf32, #tpu.memory_space<hbm>>
    %dma_wait3A_273 = arith.constant 0 : i32
    %dma_wait3A_274 = tpu.memref_slice %arg7[%arg0, %dma_wait3A_273] : memref<2x8192xf32, #tpu.memory_space<hbm>> -> memref<1x8192xf32, #tpu.memory_space<hbm>>
    %dma_wait3A_275 = tpu.memref_squeeze %dma_wait3A_274 : memref<1x8192xf32, #tpu.memory_space<hbm>> -> memref<8192xf32, #tpu.memory_space<hbm>>
    tpu.wait_dma2 semaphore(%arg18 : memref<!tpu.dma_semaphore, #tpu.memory_space<semaphore_mem>>) src(%dma_wait3A_275 : memref<8192xf32, #tpu.memory_space<hbm>>) dst(%arg11 : memref<8192xf32, #tpu.memory_space<vmem>>)
    %dma_wait3A_276 = arith.constant 0 : i32
    %dma_wait3A_277 = arith.constant 0 : i32
    %dma_wait3A_278 = tpu.memref_slice %arg9[%dma_wait3A_276, %dma_wait3A_277] : memref<512x72xi32, #tpu.memory_space<vmem>> -> memref<256x64xi32, #tpu.memory_space<vmem>>
    %dma_wait3A_279 = arith.constant 0 : i32
    %dma_wait3A_280 = tpu.memref_slice %arg3[%add3A_232, %dma_wait3A_279] : memref<20480x64xi32, #tpu.memory_space<hbm>> -> memref<256x64xi32, #tpu.memory_space<hbm>>
    %dma_wait3A_281 = arith.constant 0 : i32
    %dma_wait3A_282 = arith.constant 0 : i32
    %dma_wait3A_283 = tpu.memref_slice %arg9[%dma_wait3A_281, %dma_wait3A_282] : memref<512x72xi32, #tpu.memory_space<vmem>> -> memref<256x64xi32, #tpu.memory_space<vmem>>
    %dma_wait3A_284 = arith.constant 0 : i32
    %dma_wait3A_285 = tpu.memref_slice %arg3[%add3A_232, %dma_wait3A_284] : memref<20480x64xi32, #tpu.memory_space<hbm>> -> memref<256x64xi32, #tpu.memory_space<hbm>>
    tpu.wait_dma2 semaphore(%arg14 : memref<!tpu.dma_semaphore, #tpu.memory_space<semaphore_mem>>) src(%dma_wait3A_285 : memref<256x64xi32, #tpu.memory_space<hbm>>) dst(%dma_wait3A_283 : memref<256x64xi32, #tpu.memory_space<vmem>>)
    %dma_wait3A_286 = arith.constant 0 : i32
    %dma_wait3A_287 = arith.constant 0 : i32
    %dma_wait3A_288 = tpu.memref_slice %arg10[%dma_wait3A_286, %dma_wait3A_287] : memref<512x72xf32, #tpu.memory_space<vmem>> -> memref<256x64xf32, #tpu.memory_space<vmem>>
    %dma_wait3A_289 = arith.constant 0 : i32
    %dma_wait3A_290 = tpu.memref_slice %arg4[%add3A_232, %dma_wait3A_289] : memref<20480x64xf32, #tpu.memory_space<hbm>> -> memref<256x64xf32, #tpu.memory_space<hbm>>
    %dma_wait3A_291 = arith.constant 0 : i32
    %dma_wait3A_292 = arith.constant 0 : i32
    %dma_wait3A_293 = tpu.memref_slice %arg10[%dma_wait3A_291, %dma_wait3A_292] : memref<512x72xf32, #tpu.memory_space<vmem>> -> memref<256x64xf32, #tpu.memory_space<vmem>>
    %dma_wait3A_294 = arith.constant 0 : i32
    %dma_wait3A_295 = tpu.memref_slice %arg4[%add3A_232, %dma_wait3A_294] : memref<20480x64xf32, #tpu.memory_space<hbm>> -> memref<256x64xf32, #tpu.memory_space<hbm>>
    tpu.wait_dma2 semaphore(%arg16 : memref<!tpu.dma_semaphore, #tpu.memory_space<semaphore_mem>>) src(%dma_wait3A_295 : memref<256x64xf32, #tpu.memory_space<hbm>>) dst(%dma_wait3A_293 : memref<256x64xf32, #tpu.memory_space<vmem>>)
    %scan3A_296 = arith.constant 0 : i32
    %scan3A_297 = arith.constant 0 : i32
    %scan3A_298 = arith.constant 16 : i32
    %scan3A_299 = arith.addi %scan3A_297, %scan3A_298 : i32
    %scan3A_300 = arith.constant 1 : i32
    %scan3A_301 = scf.for %scan3A_305 = %scan3A_297 to %scan3A_299 step %scan3A_300 iter_args(%scan3A_306 = %scan3A_296) -> (i32)  : i32 {
      %mul3A_307 = arith.constant 16 : i32
      %mul3A_308 = arith.muli %scan3A_305, %mul3A_307 : i32
      %add3A_309 = arith.constant 0 : i32
      %add3A_310 = arith.addi %add3A_309, %mul3A_308 : i32
      %add3A_311 = vector.broadcast %add3A_310 : i32 to vector<16xi32>
      %add3A_312 = arith.addi %add3A_311, %iota3A : vector<16xi32>
      %scan3A_313 = arith.constant 0 : i32
      %scan3A_314 = arith.constant 8 : i32
      %scan3A_315 = arith.addi %scan3A_313, %scan3A_314 : i32
      %scan3A_316 = arith.constant 1 : i32
      %scan3A_317:4 = scf.for %scan3A_334 = %scan3A_313 to %scan3A_315 step %scan3A_316 iter_args(%scan3A_335 = %broadcast_in_dim3A_0, %scan3A_336 = %broadcast_in_dim3A_0, %scan3A_337 = %broadcast_in_dim3A_0, %scan3A_338 = %broadcast_in_dim3A_0) -> (vector<16xf32>, vector<16xf32>, vector<16xf32>, vector<16xf32>)  : i32 {
        %broadcast_in_dim3A_339 = arith.constant 0 : i32
        %broadcast_in_dim3A_340 = vector.broadcast %broadcast_in_dim3A_339 : i32 to vector<16xi32>
        %mul3A_341 = arith.constant 8 : i32
        %mul3A_342 = arith.muli %scan3A_334, %mul3A_341 : i32
        %add3A_343 = arith.constant 0 : i32
        %add3A_344 = arith.addi %mul3A_342, %add3A_343 : i32
        %add3A_345 = vector.broadcast %add3A_344 : i32 to vector<16xi32>
        %add3A_346 = arith.addi %broadcast_in_dim3A_340, %add3A_345 : vector<16xi32>
        %gather3A = tpu.vector_load_idx %arg9[%add3A_312, %add3A_346] : memref<512x72xi32, #tpu.memory_space<vmem>>[vector<16xi32>, vector<16xi32>], vector<16xi32>,
        %gather3A_347 = tpu.vector_load_idx %arg10[%add3A_312, %add3A_346] : memref<512x72xf32, #tpu.memory_space<vmem>>[vector<16xi32>, vector<16xi32>], vector<16xf32>,
        %sub3A = arith.constant 12288 : i32
        %sub3A_348 = vector.broadcast %sub3A : i32 to vector<16xi32>
        %sub3A_349 = arith.subi %gather3A, %sub3A_348 : vector<16xi32>
        %gather3A_350 = tpu.vector_load_idx %arg11[%sub3A_349] : memref<8192xf32, #tpu.memory_space<vmem>>[vector<16xi32>], vector<16xf32>,
        %mul3A_351 = arith.mulf %gather3A_350, %gather3A_347 : vector<16xf32>
        %add3A_352 = arith.addf %scan3A_335, %mul3A_351 : vector<16xf32>
        %broadcast_in_dim3A_353 = arith.constant 0 : i32
        %broadcast_in_dim3A_354 = vector.broadcast %broadcast_in_dim3A_353 : i32 to vector<16xi32>
        %mul3A_355 = arith.constant 8 : i32
        %mul3A_356 = arith.muli %scan3A_334, %mul3A_355 : i32
        %add3A_357 = arith.constant 1 : i32
        %add3A_358 = arith.addi %mul3A_356, %add3A_357 : i32
        %add3A_359 = vector.broadcast %add3A_358 : i32 to vector<16xi32>
        %add3A_360 = arith.addi %broadcast_in_dim3A_354, %add3A_359 : vector<16xi32>
        %gather3A_361 = tpu.vector_load_idx %arg9[%add3A_312, %add3A_360] : memref<512x72xi32, #tpu.memory_space<vmem>>[vector<16xi32>, vector<16xi32>], vector<16xi32>,
        %gather3A_362 = tpu.vector_load_idx %arg10[%add3A_312, %add3A_360] : memref<512x72xf32, #tpu.memory_space<vmem>>[vector<16xi32>, vector<16xi32>], vector<16xf32>,
        %sub3A_363 = arith.constant 12288 : i32
        %sub3A_364 = vector.broadcast %sub3A_363 : i32 to vector<16xi32>
        %sub3A_365 = arith.subi %gather3A_361, %sub3A_364 : vector<16xi32>
        %gather3A_366 = tpu.vector_load_idx %arg11[%sub3A_365] : memref<8192xf32, #tpu.memory_space<vmem>>[vector<16xi32>], vector<16xf32>,
        %mul3A_367 = arith.mulf %gather3A_366, %gather3A_362 : vector<16xf32>
        %add3A_368 = arith.addf %scan3A_336, %mul3A_367 : vector<16xf32>
        %broadcast_in_dim3A_369 = arith.constant 0 : i32
        %broadcast_in_dim3A_370 = vector.broadcast %broadcast_in_dim3A_369 : i32 to vector<16xi32>
        %mul3A_371 = arith.constant 8 : i32
        %mul3A_372 = arith.muli %scan3A_334, %mul3A_371 : i32
        %add3A_373 = arith.constant 2 : i32
        %add3A_374 = arith.addi %mul3A_372, %add3A_373 : i32
        %add3A_375 = vector.broadcast %add3A_374 : i32 to vector<16xi32>
        %add3A_376 = arith.addi %broadcast_in_dim3A_370, %add3A_375 : vector<16xi32>
        %gather3A_377 = tpu.vector_load_idx %arg9[%add3A_312, %add3A_376] : memref<512x72xi32, #tpu.memory_space<vmem>>[vector<16xi32>, vector<16xi32>], vector<16xi32>,
        %gather3A_378 = tpu.vector_load_idx %arg10[%add3A_312, %add3A_376] : memref<512x72xf32, #tpu.memory_space<vmem>>[vector<16xi32>, vector<16xi32>], vector<16xf32>,
        %sub3A_379 = arith.constant 12288 : i32
        %sub3A_380 = vector.broadcast %sub3A_379 : i32 to vector<16xi32>
        %sub3A_381 = arith.subi %gather3A_377, %sub3A_380 : vector<16xi32>
        %gather3A_382 = tpu.vector_load_idx %arg11[%sub3A_381] : memref<8192xf32, #tpu.memory_space<vmem>>[vector<16xi32>], vector<16xf32>,
        %mul3A_383 = arith.mulf %gather3A_382, %gather3A_378 : vector<16xf32>
        %add3A_384 = arith.addf %scan3A_337, %mul3A_383 : vector<16xf32>
        %broadcast_in_dim3A_385 = arith.constant 0 : i32
        %broadcast_in_dim3A_386 = vector.broadcast %broadcast_in_dim3A_385 : i32 to vector<16xi32>
        %mul3A_387 = arith.constant 8 : i32
        %mul3A_388 = arith.muli %scan3A_334, %mul3A_387 : i32
        %add3A_389 = arith.constant 3 : i32
        %add3A_390 = arith.addi %mul3A_388, %add3A_389 : i32
        %add3A_391 = vector.broadcast %add3A_390 : i32 to vector<16xi32>
        %add3A_392 = arith.addi %broadcast_in_dim3A_386, %add3A_391 : vector<16xi32>
        %gather3A_393 = tpu.vector_load_idx %arg9[%add3A_312, %add3A_392] : memref<512x72xi32, #tpu.memory_space<vmem>>[vector<16xi32>, vector<16xi32>], vector<16xi32>,
        %gather3A_394 = tpu.vector_load_idx %arg10[%add3A_312, %add3A_392] : memref<512x72xf32, #tpu.memory_space<vmem>>[vector<16xi32>, vector<16xi32>], vector<16xf32>,
        %sub3A_395 = arith.constant 12288 : i32
        %sub3A_396 = vector.broadcast %sub3A_395 : i32 to vector<16xi32>
        %sub3A_397 = arith.subi %gather3A_393, %sub3A_396 : vector<16xi32>
        %gather3A_398 = tpu.vector_load_idx %arg11[%sub3A_397] : memref<8192xf32, #tpu.memory_space<vmem>>[vector<16xi32>], vector<16xf32>,
        %mul3A_399 = arith.mulf %gather3A_398, %gather3A_394 : vector<16xf32>
        %add3A_400 = arith.addf %scan3A_338, %mul3A_399 : vector<16xf32>
        %broadcast_in_dim3A_401 = arith.constant 0 : i32
        %broadcast_in_dim3A_402 = vector.broadcast %broadcast_in_dim3A_401 : i32 to vector<16xi32>
        %mul3A_403 = arith.constant 8 : i32
        %mul3A_404 = arith.muli %scan3A_334, %mul3A_403 : i32
        %add3A_405 = arith.constant 4 : i32
        %add3A_406 = arith.addi %mul3A_404, %add3A_405 : i32
        %add3A_407 = vector.broadcast %add3A_406 : i32 to vector<16xi32>
        %add3A_408 = arith.addi %broadcast_in_dim3A_402, %add3A_407 : vector<16xi32>
        %gather3A_409 = tpu.vector_load_idx %arg9[%add3A_312, %add3A_408] : memref<512x72xi32, #tpu.memory_space<vmem>>[vector<16xi32>, vector<16xi32>], vector<16xi32>,
        %gather3A_410 = tpu.vector_load_idx %arg10[%add3A_312, %add3A_408] : memref<512x72xf32, #tpu.memory_space<vmem>>[vector<16xi32>, vector<16xi32>], vector<16xf32>,
        %sub3A_411 = arith.constant 12288 : i32
        %sub3A_412 = vector.broadcast %sub3A_411 : i32 to vector<16xi32>
        %sub3A_413 = arith.subi %gather3A_409, %sub3A_412 : vector<16xi32>
        %gather3A_414 = tpu.vector_load_idx %arg11[%sub3A_413] : memref<8192xf32, #tpu.memory_space<vmem>>[vector<16xi32>], vector<16xf32>,
        %mul3A_415 = arith.mulf %gather3A_414, %gather3A_410 : vector<16xf32>
        %add3A_416 = arith.addf %add3A_352, %mul3A_415 : vector<16xf32>
        %broadcast_in_dim3A_417 = arith.constant 0 : i32
        %broadcast_in_dim3A_418 = vector.broadcast %broadcast_in_dim3A_417 : i32 to vector<16xi32>
        %mul3A_419 = arith.constant 8 : i32
        %mul3A_420 = arith.muli %scan3A_334, %mul3A_419 : i32
        %add3A_421 = arith.constant 5 : i32
        %add3A_422 = arith.addi %mul3A_420, %add3A_421 : i32
        %add3A_423 = vector.broadcast %add3A_422 : i32 to vector<16xi32>
        %add3A_424 = arith.addi %broadcast_in_dim3A_418, %add3A_423 : vector<16xi32>
        %gather3A_425 = tpu.vector_load_idx %arg9[%add3A_312, %add3A_424] : memref<512x72xi32, #tpu.memory_space<vmem>>[vector<16xi32>, vector<16xi32>], vector<16xi32>,
        %gather3A_426 = tpu.vector_load_idx %arg10[%add3A_312, %add3A_424] : memref<512x72xf32, #tpu.memory_space<vmem>>[vector<16xi32>, vector<16xi32>], vector<16xf32>,
        %sub3A_427 = arith.constant 12288 : i32
        %sub3A_428 = vector.broadcast %sub3A_427 : i32 to vector<16xi32>
        %sub3A_429 = arith.subi %gather3A_425, %sub3A_428 : vector<16xi32>
        %gather3A_430 = tpu.vector_load_idx %arg11[%sub3A_429] : memref<8192xf32, #tpu.memory_space<vmem>>[vector<16xi32>], vector<16xf32>,
        %mul3A_431 = arith.mulf %gather3A_430, %gather3A_426 : vector<16xf32>
        %add3A_432 = arith.addf %add3A_368, %mul3A_431 : vector<16xf32>
        %broadcast_in_dim3A_433 = arith.constant 0 : i32
        %broadcast_in_dim3A_434 = vector.broadcast %broadcast_in_dim3A_433 : i32 to vector<16xi32>
        %mul3A_435 = arith.constant 8 : i32
        %mul3A_436 = arith.muli %scan3A_334, %mul3A_435 : i32
        %add3A_437 = arith.constant 6 : i32
        %add3A_438 = arith.addi %mul3A_436, %add3A_437 : i32
        %add3A_439 = vector.broadcast %add3A_438 : i32 to vector<16xi32>
        %add3A_440 = arith.addi %broadcast_in_dim3A_434, %add3A_439 : vector<16xi32>
        %gather3A_441 = tpu.vector_load_idx %arg9[%add3A_312, %add3A_440] : memref<512x72xi32, #tpu.memory_space<vmem>>[vector<16xi32>, vector<16xi32>], vector<16xi32>,
        %gather3A_442 = tpu.vector_load_idx %arg10[%add3A_312, %add3A_440] : memref<512x72xf32, #tpu.memory_space<vmem>>[vector<16xi32>, vector<16xi32>], vector<16xf32>,
        %sub3A_443 = arith.constant 12288 : i32
        %sub3A_444 = vector.broadcast %sub3A_443 : i32 to vector<16xi32>
        %sub3A_445 = arith.subi %gather3A_441, %sub3A_444 : vector<16xi32>
        %gather3A_446 = tpu.vector_load_idx %arg11[%sub3A_445] : memref<8192xf32, #tpu.memory_space<vmem>>[vector<16xi32>], vector<16xf32>,
        %mul3A_447 = arith.mulf %gather3A_446, %gather3A_442 : vector<16xf32>
        %add3A_448 = arith.addf %add3A_384, %mul3A_447 : vector<16xf32>
        %broadcast_in_dim3A_449 = arith.constant 0 : i32
        %broadcast_in_dim3A_450 = vector.broadcast %broadcast_in_dim3A_449 : i32 to vector<16xi32>
        %mul3A_451 = arith.constant 8 : i32
        %mul3A_452 = arith.muli %scan3A_334, %mul3A_451 : i32
        %add3A_453 = arith.constant 7 : i32
        %add3A_454 = arith.addi %mul3A_452, %add3A_453 : i32
        %add3A_455 = vector.broadcast %add3A_454 : i32 to vector<16xi32>
        %add3A_456 = arith.addi %broadcast_in_dim3A_450, %add3A_455 : vector<16xi32>
        %gather3A_457 = tpu.vector_load_idx %arg9[%add3A_312, %add3A_456] : memref<512x72xi32, #tpu.memory_space<vmem>>[vector<16xi32>, vector<16xi32>], vector<16xi32>,
        %gather3A_458 = tpu.vector_load_idx %arg10[%add3A_312, %add3A_456] : memref<512x72xf32, #tpu.memory_space<vmem>>[vector<16xi32>, vector<16xi32>], vector<16xf32>,
        %sub3A_459 = arith.constant 12288 : i32
        %sub3A_460 = vector.broadcast %sub3A_459 : i32 to vector<16xi32>
        %sub3A_461 = arith.subi %gather3A_457, %sub3A_460 : vector<16xi32>
        %gather3A_462 = tpu.vector_load_idx %arg11[%sub3A_461] : memref<8192xf32, #tpu.memory_space<vmem>>[vector<16xi32>], vector<16xf32>,
        %mul3A_463 = arith.mulf %gather3A_462, %gather3A_458 : vector<16xf32>
        %add3A_464 = arith.addf %add3A_400, %mul3A_463 : vector<16xf32>
        scf.yield %add3A_416, %add3A_432, %add3A_448, %add3A_464 : vector<16xf32>, vector<16xf32>, vector<16xf32>, vector<16xf32>
      }
      %scan3A_318 = arith.constant 8 : i32
      %add3A_319 = arith.addf %scan3A_317#0, %scan3A_317#1 : vector<16xf32>
      %add3A_320 = arith.addf %scan3A_317#2, %scan3A_317#3 : vector<16xf32>
      %add3A_321 = arith.addf %add3A_319, %add3A_320 : vector<16xf32>
      %mul3A_322 = arith.constant 16 : i32
      %mul3A_323 = arith.muli %scan3A_305, %mul3A_322 : i32
      %add3A_324 = arith.constant 0 : i32
      %add3A_325 = arith.addi %add3A_324, %mul3A_323 : i32
      %add3A_326 = arith.constant 1024 : i32
      %add3A_327 = arith.addi %add3A_326, %add3A_325 : i32
      %get3A = arith.index_cast %add3A_327 : i32 to index
      %get3A_328 = tpu.vector_load %arg12[%get3A] {strides = array<i32>} : memref<1280xf32, #tpu.memory_space<vmem>>, vector<16xf32>,
      %add3A_329 = arith.addf %add3A_321, %get3A_328 : vector<16xf32>
      %max3A = arith.constant 0.000000e+00 : f32
      %max3A_330 = vector.broadcast %max3A : f32 to vector<16xf32>
      %max3A_331 = arith.maximumf %add3A_329, %max3A_330 : vector<16xf32>
      %swap3A = arith.index_cast %add3A_325 : i32 to index
      %swap3A_332 = tpu.vector_load %arg13[%swap3A] {strides = array<i32>} : memref<512xf32, #tpu.memory_space<vmem>>, vector<16xf32>,
      tpu.vector_store %arg13[%swap3A], %max3A_331 {strides = array<i32>} : memref<512xf32, #tpu.memory_space<vmem>>, vector<16xf32>,
      %scan3A_333 = arith.constant 0 : i32
      scf.yield %scan3A_333 : i32
    }
    %scan3A_302 = arith.constant 16 : i32
    %eq3A = arith.constant 0 : i32
    %eq3A_303 = arith.cmpi eq, %arg0, %eq3A : i32
    %convert_element_type3A = arith.extui %eq3A_303 : i1 to i32
    %cond3A = arith.constant 0 : i32
    %cond3A_304 = arith.cmpi ne, %convert_element_type3A, %cond3A : i32
    scf.if %cond3A_304 {
      %mul3A_305 = arith.constant 256 : i32
      %mul3A_306 = arith.muli %arg1, %mul3A_305 : i32
      %dma_start3A_307 = arith.constant 0 : i32
      %dma_start3A_308 = tpu.memref_slice %arg13[%dma_start3A_307] : memref<512xf32, #tpu.memory_space<vmem>> -> memref<256xf32, #tpu.memory_space<vmem>>
      %dma_start3A_309 = tpu.memref_slice %arg8[%mul3A_306] : memref<4096xf32, #tpu.memory_space<hbm>> -> memref<256xf32, #tpu.memory_space<hbm>>
      %dma_start3A_310 = tpu.memref_slice %arg8[%mul3A_306] : memref<4096xf32, #tpu.memory_space<hbm>> -> memref<256xf32, #tpu.memory_space<hbm>>
      %dma_start3A_311 = arith.constant 0 : i32
      %dma_start3A_312 = tpu.memref_slice %arg13[%dma_start3A_311] : memref<512xf32, #tpu.memory_space<vmem>> -> memref<256xf32, #tpu.memory_space<vmem>>
      tpu.enqueue_dma source(%dma_start3A_312 : memref<256xf32, #tpu.memory_space<vmem>>) target(%dma_start3A_310 : memref<256xf32, #tpu.memory_space<hbm>>) target_semaphore(%arg18 : memref<!tpu.dma_semaphore, #tpu.memory_space<semaphore_mem>>)
      %dma_wait3A_313 = arith.constant 0 : i32
      %dma_wait3A_314 = tpu.memref_slice %arg13[%dma_wait3A_313] : memref<512xf32, #tpu.memory_space<vmem>> -> memref<256xf32, #tpu.memory_space<vmem>>
      %dma_wait3A_315 = tpu.memref_slice %arg8[%mul3A_306] : memref<4096xf32, #tpu.memory_space<hbm>> -> memref<256xf32, #tpu.memory_space<hbm>>
      %dma_wait3A_316 = tpu.memref_slice %arg8[%mul3A_306] : memref<4096xf32, #tpu.memory_space<hbm>> -> memref<256xf32, #tpu.memory_space<hbm>>
      %dma_wait3A_317 = arith.constant 0 : i32
      %dma_wait3A_318 = tpu.memref_slice %arg13[%dma_wait3A_317] : memref<512xf32, #tpu.memory_space<vmem>> -> memref<256xf32, #tpu.memory_space<vmem>>
      tpu.wait_dma2 semaphore(%arg18 : memref<!tpu.dma_semaphore, #tpu.memory_space<semaphore_mem>>) src(%dma_wait3A_318 : memref<256xf32, #tpu.memory_space<vmem>>) dst(%dma_wait3A_316 : memref<256xf32, #tpu.memory_space<hbm>>)
    } else {
    }
    return
  }
}

</mosaic_0001>

<sc_bundles>
// kernel: kernel.3.cloned.1.call-start
scs
__scs_entry_jumppad:
0x0: {  	(pc) =	sbr.rel $0x88, $3  }
0x1: {  	(tag) =	ssettag $0x0;
	lr =	simm.s32 $0x1  }
0x2: {  	[smem:$0x3F9D] =	sst lr;
	_ =	strace $0xD0000000  }
0x3: {  	_ = 	snop  }
0x4: {  	_ = 	snop  }
0x5: {  	_ = 	snop  }
0x6: {  	_ = 	snop  }
0x7: {  	_ = 	snop  }
__scs_overlays_trampoline_lowered:
0x8: {  	[smem:$0x3FAC] =	sst s0  }
0x9: {  	[smem:$0x3FAD] =	sst s1  }
0xa: {  	[smem:$0x3FAE] =	sst s2  }
0xb: {  	[smem:$0x3FAF] =	sst s3  }
0xc: {  	[smem:$0x3FB0] =	sst s4  }
0xd: {  	[smem:$0x3FB1] =	sst s5  }
0xe: {  	[smem:$0x3FB2] =	sst s6  }
0xf: {  	[smem:$0x3FB3] =	sst s7  }
0x10: {  	[smem:$0x3FB4] =	sst s8  }
0x11: {  	[smem:$0x3FB5] =	sst s9;
	s0 =	simm.s32 @!p0 $0x0  }
0x12: {  	s1 =	sld [smem:$0x3F9B];
	s0 =	simm.s32 @p0 $0x1  }
0x13: {  	[smem:$0x3FB6] =	sst s0;
	s0 =	simm.s32 @!p1 $0x0  }
0x14: {  	s2 =	sld [smem:$0x3F9A];
	s0 =	simm.s32 @p1 $0x1  }
0x15: {  	[smem:$0x3FB7] =	sst s0;
	s0 =	simm.s32 @!p2 $0x0  }
0x16: {  	s3 =	sld [smem:$0x3FDB];
	s0 =	simm.s32 @p2 $0x1  }
0x17: {  	s4 =	simm.s32 $0x1BF5;
	[smem:$0x3FB9] =	sst s0  }
0x18: {  	s0 =	sld [smem:$0x3F9C];
	_ =	swait.ge [sflag:s4], $0x0  }
0x19: {  	s7 =	sld [smem:$0x3F9D]  }
0x1a: {  	s8 =	sadd.s32 $0xFFFFE003, lr  }
0x1b: {  	s9 =	sadd.s32 $0xFFFFFEF7, lr;
	s5 =	simm.s32 $0xFFFFFFFF;
	p2 =	slt.u32 s8, $0xFFFFF086  }
0x1c: {  	p1 =	slt.u32 s9, $0xF7A;
	s5 =	simm.s32 @!p2 $0x0  }
0x1d: {  	s5 =	simm.s32 @p1 $0x1;
	p0 =	seq.s32 s7, s2  }
0x1e: {  	s7 =	smul.u32 @!p0 $0xF7A, s2;
	p2 =	seq.s32 @!p0 s5, $0x0  }
0x1f: {  	s9 =	smul.u32 $0xF7A, s1;
	s8 =	simm.s32 @!p0 $0x1BF5;
	p2 =	por !p2, p0  }
0x20: {  	[sflag:s8] =	ssyncset.s32 @!p0 $0xFFFFF086;
	s6 =	sadd.s32 @!p0 s3, s7;
	s7 =	simm.s32 @!p0 $0x108  }
0x21: {  	s3 =	sadd.s32 s3, s9;
	s6 =	sadd.s32 @!p0 $0x88, s6;
	s7 =	simm.s32 @p2 $0x1082  }
0x22: {  	[simem:s7], [sflag:s8] =	dma.local @!p0 [hbm:s6], $0xF7A  }
0x23: {  	s9 =	sor.u32 $0xD0000000, s2;
	s6 =	simm.s32 $0x108;
	_ =	swait.ge @!p0 [sflag:s8], $0x0  }
0x24: {  	s3 =	sadd.s32 $0x88, s3;
	s6 =	simm.s32 @!p1 $0x1082;
	[sflag:s4] =	ssyncset.s32 $0xFFFFF086  }
0x25: {  	[simem:s6], [sflag:s4] =	dma.local [hbm:s3], $0xF7A  }
0x26: {  	[smem:$0x3F9D] =	sst s1;
	(tag) =	ssettag s2;
	_ =	strace s9  }
0x27: {  	s1 =	sld [smem:$0x3FAD]  }
0x28: {  	s2 =	sld [smem:$0x3FAE]  }
0x29: {  	s4 =	sld [smem:$0x3FB0]  }
0x2a: {  	p0 =	seq.s32 s5, $0x0;
	s5 =	sld [smem:$0x3FB1]  }
0x2b: {  	s6 =	sld [smem:$0x3FB2]  }
0x2c: {  	s7 =	sld [smem:$0x3FB3]  }
0x2d: {  	s3 =	simm.s32 $0x108;
	s8 =	sld [smem:$0x3FB4]  }
0x2e: {  	s3 =	simm.s32 @!p0 $0x1082;
	s9 =	sld [smem:$0x3FB5]  }
0x2f: {  	lr =	sadd.s32 s0, s3;
	s0 =	sld [smem:$0x3FAC]  }
0x30: {  	s3 =	sld [smem:$0x3FAF]  }
0x31: {  	[smem:$0x3FB8] =	sst s10  }
0x32: {  	s10 =	sld [smem:$0x3FB6];
	_ =	sdelay $0x3  }
0x33: {  	p0 =	seq.s32 s10, $0x1;
	s10 =	sld [smem:$0x3FB8];
	_ =	sdelay $0x3  }
0x34: {  	[smem:$0x3FB8] =	sst s10  }
0x35: {  	s10 =	sld [smem:$0x3FB7];
	_ =	sdelay $0x3  }
0x36: {  	p1 =	seq.s32 s10, $0x1;
	s10 =	sld [smem:$0x3FB8];
	_ =	sdelay $0x3  }
0x37: {  	[smem:$0x3FB8] =	sst s10  }
0x38: {  	s10 =	sld [smem:$0x3FB9]  }
0x39: {  	_ = 	snop;
	(pc) =	sbr.ind lr, $3  }
0x3a: {  	_ = 	snop  }
0x3b: {  	_ = 	snop  }
0x3c: {  	p2 =	seq.s32 s10, $0x1;
	s10 =	sld [smem:$0x3FB8]  }
0x3d: {  	_ =	shalt  }
0x3e: {  	_ =	shalt  }
0x3f: {  	_ =	shalt  }
0x40: {  	_ =	shalt  }
0x41: {  	_ =	shalt  }
0x42: {  	_ =	shalt  }
0x43: {  	_ =	shalt  }
0x44: {  	_ =	shalt  }
0x45: {  	_ =	shalt  }
0x46: {  	_ =	shalt  }
0x47: {  	_ =	shalt  }
0x48: {  	_ =	shalt  }
0x49: {  	_ =	shalt  }
0x4a: {  	_ =	shalt  }
0x4b: {  	_ =	shalt  }
0x4c: {  	_ =	shalt  }
0x4d: {  	_ =	shalt  }
0x4e: {  	_ =	shalt  }
0x4f: {  	_ =	shalt  }
0x50: {  	_ =	shalt  }
0x51: {  	_ =	shalt  }
0x52: {  	_ =	shalt  }
0x53: {  	_ =	shalt  }
0x54: {  	_ =	shalt  }
0x55: {  	_ =	shalt  }
0x56: {  	_ =	shalt  }
0x57: {  	_ =	shalt  }
0x58: {  	_ =	shalt  }
0x59: {  	_ =	shalt  }
0x5a: {  	_ =	shalt  }
0x5b: {  	_ =	shalt  }
0x5c: {  	_ =	shalt  }
0x5d: {  	_ =	shalt  }
0x5e: {  	_ =	shalt  }
0x5f: {  	_ =	shalt  }
0x60: {  	_ =	shalt  }
0x61: {  	_ =	shalt  }
0x62: {  	_ =	shalt  }
0x63: {  	_ =	shalt  }
0x64: {  	_ =	shalt  }
0x65: {  	_ =	shalt  }
0x66: {  	_ =	shalt  }
0x67: {  	_ =	shalt  }
0x68: {  	_ =	shalt  }
0x69: {  	_ =	shalt  }
0x6a: {  	_ =	shalt  }
0x6b: {  	_ =	shalt  }
0x6c: {  	_ =	shalt  }
0x6d: {  	_ =	shalt  }
0x6e: {  	_ =	shalt  }
0x6f: {  	_ =	shalt  }
0x70: {  	_ =	shalt  }
0x71: {  	_ =	shalt  }
0x72: {  	_ =	shalt  }
0x73: {  	_ =	shalt  }
0x74: {  	_ =	shalt  }
0x75: {  	_ =	shalt  }
0x76: {  	_ =	shalt  }
0x77: {  	_ =	shalt  }
0x78: {  	_ =	shalt  }
0x79: {  	_ =	shalt  }
0x7a: {  	_ =	shalt  }
0x7b: {  	_ =	shalt  }
0x7c: {  	_ =	shalt  }
0x7d: {  	_ =	shalt  }
0x7e: {  	_ =	shalt  }
0x7f: {  	_ =	shalt  }
0x80: {  	_ =	shalt  }
0x81: {  	_ =	shalt  }
0x82: {  	_ =	shalt  }
0x83: {  	_ =	shalt  }
0x84: {  	_ =	shalt  }
0x85: {  	_ =	shalt  }
0x86: {  	_ =	shalt  }
0x87: {  	_ =	shalt  }
.Lfunc_end0:
.L_simem_size_0:
called_computation_lowered:
.L_overlay_start_0:
0x88: {  	s2 =	sld [smem:$0x3FD9]  }
0x89: {  	s3 =	sld [smem:$0x3FFE];
	_ =	sdelay $0x1  }
0x8a: {  	s1 =	srdreg.scid  }
0x8b: {  	s0 =	sand.u32 $0x1, s1  }
0x8c: {  	s17 =	sshll.u32 s0, $0xA;
	s2 =	sadd.s32 s3, s2  }
0x8d: {  	s2 =	sadd.s32 s2, s17  }
0x8e: {  	[smem:$0x3FC4] =	sst s2  }
0x8f: {  	_ = 	snop  }
0x90: {  	s2 =	sld [smem:$0x3FC9]  }
0x91: {  	s18 =	sld [smem:$0x3FC7]  }
0x92: {  	s4 =	sld [smem:$0x3FC6]  }
0x93: {  	s5 =	sld [smem:$0x3FD0];
	(tm) =	ssettm $0x1  }
0x94: {  	s6 =	sld [smem:$0x3FFB];
	_ =	sdelay $0x3  }
0x95: {  	_ =	strace s6  }
0x96: {  	s6 =	sld [smem:$0x3FFC];
	_ =	sdelay $0x3  }
0x97: {  	_ =	strace s6  }
0x98: {  	s6 =	sld [smem:$0x3FFD];
	_ =	sdelay $0x3  }
0x99: {  	_ =	strace s6  }
0x9a: {  	_ =	strace $0x8FFFFFFF  }
0x9b: {  	s19 =	sld [smem:$0x3FDB];
	_ =	sdelay $0x1  }
0x9c: {  	s7 =	simm.s32 $_scs_section_size  }
0x9d: {  	s8 =	simm.s32 $_size__tile_overlayer_lowered;
	s9 =	simm.s32 $_tile_overlayer_lowered  }
0x9e: {  	s22 =	simm.s32 $0x1BFF;
	s21 =	sshll.u32 s9, $0x1;
	s6 =	sadd.s32 s7, s19  }
0x9f: {  	s10 =	simm.s32 $0x0;
	s20 =	sshll.u32 s8, $0x1;
	s8 =	sadd.s32 s21, s6  }
0xa0: {  	[timem:s10], [sflag:s22] =	dma.local [hbm:s8], s20  }
0xa1: {  	_ =	swait.ge [sflag:s22], s20  }
0xa2: {  	s7 =	ssub.s32 $0x0, s20;
	[sflag:s22] =	ssyncset.done $0x0  }
0xa3: {  	[sflag:s22] =	ssyncadd.s32 s7;
	_ =	sdelay $0x1  }
0xa4: {  	s23 =	simm.s32 $0x1B8B  }
0xa5: {  	_ =	swait.ge [sflag:s23], $0x1  }
0xa6: {  	[sflag:s23] =	ssyncset.done $0x0  }
0xa7: {  	s25 =	simm.s32 $0x1B8E;
	s24 =	sld [smem:$0x3FFE];
	[sflag:s23] =	ssyncadd.s32 $0xFFFFFFFF  }
0xa8: {  	s26 =	simm.s32 $execute0_lowered;
	[smem:$0x3FD2] =	sst s25  }
0xa9: {  	s8 =	sshll.u32 s26, $0x1;
	_ =	strace $0x80000046;
	[dreg:$0x1] =	wrdreg $0xFFFFFFFF  }
0xaa: {  	s28 =	simm.s32 $_size_execute0_lowered;
	s6 =	sadd.s32 s6, s8;
	[dreg:$0x0] =	wrdreg $0x0  }
0xab: {  	s8 =	sshll.u32 s28, $0x1;
	[dreg:$0x2] =	wrdreg s6  }
0xac: {  	[dreg:$0x3] =	wrdreg s8  }
0xad: {  	[dreg:$0x4] =	wrdreg $0xC0  }
0xae: {  	_ =	task [dreg:s10], $0x5FFFF  }
0xaf: {  	[dreg:$0x1] =	wrdreg $0xFFFFFFFF  }
0xb0: {  	[dreg:$0x0] =	wrdreg $0x60  }
0xb1: {  	[dreg:$0x2] =	wrdreg s2  }
0xb2: {  	[dreg:$0x3] =	wrdreg s24  }
0xb3: {  	[dreg:$0x4] =	wrdreg s18  }
0xb4: {  	[dreg:$0x5] =	wrdreg s4  }
0xb5: {  	[dreg:$0x6] =	wrdreg s5  }
0xb6: {  	[dreg:$0x7] =	wrdreg $0x9  }
0xb7: {  	_ =	task.clear_ibuf [dreg:s10], $0x8FFFF;
	_ =	strace $0x90000046  }
0xb8: {  	s29 =	simm.s32 $0x9;
	_ =	strace $0x80000048  }
0xb9: {  	_ =	swait.ge [sflag:s29], $0x1  }
0xba: {  	[sflag:s29] =	ssyncadd.s32 $0xFFFFFFFF  }
0xbb: {  	_ =	strace $0x90000048  }
0xbc: {  	_ =	sfence  }
0xbd: {  	s30 =	sld [smem:$0x0];
	_ =	sdelay $0x2  }
0xbe: {  	s31 =	sshll.u32 s1, $0xD;
	s1 =	sshrl.u32 s1, $0x2  }
0xbf: {  	s3 =	sand.u32 $0x4000, s31;
	s1 =	sadd.s32 s1, s30  }
0xc0: {  	s0 =	sor.u32 s3, s0;
	s1 =	sshll.u32 s1, $0x11  }
0xc1: {  	s0 =	sor.u32 s1, s0  }
0xc2: {  	s0 =	sadd.s32 $0x8F2B, s0  }
0xc3: {  	[sflag:s0] =	ssyncadd.remote.s32 $0x1  }
0xc4: {  	_ =	sfence.sel $0xFFFF  }
0xc5: {  	[dreg:$0x0] =	wrdreg $0xFFFFFFFF;
	(pc) =	sbr.abs _section_cstart, $3  }
0xc6: {  	[dreg:$0x1] =	wrdreg $0xFFFFFFFF  }
0xc7: {  	_ =	task.clear_ibuf [dreg:s10], $0x2FFFF;
	_ =	strace $0x9FFFFFFF  }
0xc8: {  	(tm) =	ssettm $0x7FFFFFFF  }
0xc9: {  	_ =	shalt  }
tec
execute0_lowered:
.L_overlay_start_1:
0x0: {  	(tag) =	ssettag $0x1  }
0x1: {  	s0 =	rddreg [dreg:$0x1]  }
0x2: {  	s1 =	rddreg [dreg:$0x2]  }
0x3: {  	s3 =	rddreg [dreg:$0x3]  }
0x4: {  	s4 =	rddreg [dreg:$0x4]  }
0x5: {  	s2 =	simm.s32 $0x0;
	s5 =	srdreg.scid;
	s19 =	stileid.u32  }
0x6: {  	s28 =	simm.s32 $0x1;
	s29 =	simm.s32 $0x3;
	s30 =	simm.s32 $0x9000  }
0x7: {  	s31 =	simm.s32 $0x2;
	[smem:$0x7FF] =	sst s2;
	s22 =	sand.u32 $0x1, s5  }
0x8: {  	s15 =	sadd.s32 $0x800, s0;
	s14 =	sadd.s32 $0x28800, s0;
	s0 =	sadd.s32 $0x29000, s0  }
0x9: {  	s12 =	sshll.u32 s19, $0x9;
	s16 =	sshll.u32 s19, $0x8;
	s17 =	sshll.u32 s19, $0x6  }
0xa: {  	s24 =	sshll.u32 s19, $0xC;
	s26 =	sshll.u32 s19, $0x5;
	_ =	strace $0x80000047  }
0xb: {  	s5 =	ssub.s32 $0x2, s22;
	s10 =	sor.u32 $0x2000, s12;
	s16 =	sor.u32 $0x4000, s16  }
0xc: {  	s18 =	sadd.s32 s3, s17;
	s7 =	sadd.s32 s15, s24;
	s8 =	sadd.s32 s1, s24  }
0xd: {  	s17 =	sshll.u32 s22, $0xD;
	s19 =	sadd.s32 s4, s26;
	p0 =	sne.s32 s22, $0x0  }
0xe: {  	s26 =	simm.s32 $0x6;
	s6 =	sshrl.u32 s5, $0x1;
	[dreg:$0x6] =	wrdreg s18  }
0xf: {  	s21 =	sshrl.u32 s10, $0x3;
	s23 =	sshrl.u32 s16, $0x3;
	s13 =	sshll.u32 s10, $0x3  }
0x10: {  	s25 =	sor.u32 s12, s17;
	s18 =	sshll.u32 s22, $0xA;
	s16 =	sshll.u32 s16, $0x3  }
0x11: {  	s20 =	ssub.s32 s5, s6;
	s5 =	sadd.s32 s3, s21;
	s6 =	sadd.s32 s3, s23  }
0x12: {  	v0 =	vlaneseq.u32;
	s3 =	sor.u32 $0x800, s24;
	s11 =	sadd.s32 s15, s13;
	s12 =	sadd.s32 s1, s13  }
0x13: {  	v0 =	vmul.u32 $0x48, v0;
	s21 =	simm.s32 $0x12000;
	s9 =	sadd.s32 s15, s3;
	s10 =	sadd.s32 s1, s3  }
0x14: {  	s3 =	sshrl.u32 s25, $0x3;
	s15 =	sadd.s32 s15, s16;
	s16 =	sadd.s32 s1, s16  }
0x15: {  	v1 =	vor.u32 $0x1, v0;
	s20 =	smax.u32 s20, $0x1;
	s25 =	simm.s32 $0x5;
	s1 =	simm.s32 $0x0  }
0x16: {  	v2 =	vor.u32 $0x2, v0;
	v3 =	vor.u32 $0x3, v0;
	v4 =	vor.u32 $0x4, v0;
	s13 =	sadd.s32 s14, s3;
	s14 =	sadd.s32 s14, s18;
	s17 =	sadd.s32 s0, s3  }
0x17: {  	v5 =	vor.u32 $0x5, v0;
	v6 =	vor.u32 $0x6, v0;
	v7 =	vor.u32 $0x7, v0;
	s18 =	sadd.s32 s0, s18;
	s0 =	simm.s32 $0x4;
	s3 =	simm.s32 $0x14500  }
.LBB2_1:
0x18: {  	s4 =	rddreg [dreg:$0x0]  }
0x19: {  	[tilespmem:s21], [sflag:$0x5] =	stream.linear.gather [hbm4b:s4+s2], $0x1000, $0x38;
	[tilespmem:$0x14700] =	vst v63  }
0x1a: {  	s24 =	rddreg [dreg:$0x6];
	s22 =	simm.s32 $0x14000  }
0x1b: {  	[tilespmem:s22], [sflag:$0x6] =	stream.linear.gather [hbm4b:s24+s2], $0x200, $0x38;
	[tilespmem:$0x14700] =	vst v63  }
0x1c: {  	s23 =	simm.s32 $0x14200  }
0x1d: {  	[tilespmem:s23], [sflag:$0x6] =	stream.linear.gather [hbm4b:s5+s2], $0x200, $0x38;
	[tilespmem:$0x14700] =	vst v63  }
0x1e: {  	s4 =	simm.s32 $0x8;
	s24 =	simm.s32 $0x14400  }
0x1f: {  	[tilespmem:s24], [sflag:$0x6] =	stream.linear.gather [hbm4b:s6+s2], $0x100, $0x38;
	[tilespmem:$0x14700] =	vst v63  }
0x20: {  	s22 =	simm.s32 $0x48;
	s23 =	simm.s32 $0x0;
	s24 =	sadd.s32 $0x0, s7  }
.LBB2_2:
0x21: {  	[tilespmem:s23], [sflag:$0x1] =	stream.linear.gather [hbm4b:s24+s2], $0x40, $0x38;
	[tilespmem:$0x14700] =	vst v63  }
0x22: {  	s24 =	smov.u32 s4;
	s23 =	smov.u32 s22;
	p1 =	sne.s32 s4, $0x7F8  }
.Ltmp0:
0x23: {  	s4 =	sadd.s32 $0x8, s4;
	(pc) =	sbr.rel @p1 .LBB2_2-.Ltmp0, $2  }
0x24: {  	_ =	sdelay $0x2  }
0x25: {  	s22 =	sadd.s32 $0x48, s22;
	s24 =	sadd.s32 s24, s7  }
0x26: {  	[tilespmem:s23], [sflag:$0x1] =	stream.linear.gather [hbm4b:s24+s2], $0x40, $0x38;
	[tilespmem:$0x14700] =	vst v63  }
0x27: {  	s4 =	simm.s32 $0x9000  }
0x28: {  	s22 =	simm.s32 $0x8;
	s24 =	sadd.s32 $0x0, s8;
	s23 =	simm.s32 $0x9048  }
.LBB2_4:
0x29: {  	[tilespmem:s4], [sflag:$0x3] =	stream.linear.gather [hbm4b:s24+s2], $0x40, $0x38;
	[tilespmem:$0x14700] =	vst v63  }
0x2a: {  	s24 =	smov.u32 s22;
	s4 =	smov.u32 s23;
	p1 =	sne.s32 s22, $0x7F8  }
.Ltmp1:
0x2b: {  	s22 =	sadd.s32 $0x8, s22;
	(pc) =	sbr.rel @p1 .LBB2_4-.Ltmp1, $2  }
0x2c: {  	_ =	sdelay $0x2  }
0x2d: {  	s23 =	sadd.s32 $0x48, s23;
	s24 =	sadd.s32 s24, s8  }
0x2e: {  	[tilespmem:s4], [sflag:$0x3] =	stream.linear.gather [hbm4b:s24+s2], $0x40, $0x38;
	[tilespmem:$0x14700] =	vst v63  }
0x2f: {  	s4 =	simm.s32 $0x4800  }
0x30: {  	s22 =	simm.s32 $0x8;
	s24 =	sadd.s32 $0x0, s9;
	s23 =	simm.s32 $0x4848  }
.LBB2_6:
0x31: {  	[tilespmem:s4], [sflag:$0x2] =	stream.linear.gather [hbm4b:s24+s2], $0x40, $0x38;
	[tilespmem:$0x14700] =	vst v63  }
0x32: {  	s24 =	smov.u32 s22;
	s4 =	smov.u32 s23;
	p1 =	sne.s32 s22, $0x7F8  }
.Ltmp2:
0x33: {  	s22 =	sadd.s32 $0x8, s22;
	(pc) =	sbr.rel @p1 .LBB2_6-.Ltmp2, $2  }
0x34: {  	_ =	sdelay $0x2  }
0x35: {  	s23 =	sadd.s32 $0x48, s23;
	s24 =	sadd.s32 s24, s9  }
0x36: {  	[tilespmem:s4], [sflag:$0x2] =	stream.linear.gather [hbm4b:s24+s2], $0x40, $0x38;
	[tilespmem:$0x14700] =	vst v63  }
0x37: {  	s4 =	simm.s32 $0xD800  }
0x38: {  	s22 =	simm.s32 $0x8;
	s24 =	sadd.s32 $0x0, s10;
	s23 =	simm.s32 $0xD848  }
.LBB2_8:
0x39: {  	[tilespmem:s4], [sflag:$0x4] =	stream.linear.gather [hbm4b:s24+s2], $0x40, $0x38;
	[tilespmem:$0x14700] =	vst v63  }
0x3a: {  	s24 =	smov.u32 s22;
	s4 =	smov.u32 s23;
	p1 =	sne.s32 s22, $0x7F8  }
.Ltmp3:
0x3b: {  	s22 =	sadd.s32 $0x8, s22;
	(pc) =	sbr.rel @p1 .LBB2_8-.Ltmp3, $2  }
0x3c: {  	_ =	sdelay $0x2  }
0x3d: {  	s23 =	sadd.s32 $0x48, s23;
	s24 =	sadd.s32 s24, s10  }
0x3e: {  	[tilespmem:s4], [sflag:$0x4] =	stream.linear.gather [hbm4b:s24+s2], $0x40, $0x38;
	[tilespmem:$0x14700] =	vst v63  }
0x3f: {  	_ =	swait.ge [sflag:s25], $0x1000  }
0x40: {  	[sflag:s25] =	ssyncset.done $0x0  }
0x41: {  	[sflag:s25] =	ssyncadd.s32 $0xFFFFF000  }
0x42: {  	_ =	swait.ge [sflag:s26], $0x200  }
0x43: {  	[sflag:s26] =	ssyncset.done $0x0  }
0x44: {  	[sflag:s26] =	ssyncadd.s32 $0xFFFFFE00  }
0x45: {  	_ =	swait.ge [sflag:s26], $0x200  }
0x46: {  	[sflag:s26] =	ssyncset.done $0x0  }
0x47: {  	[sflag:s26] =	ssyncadd.s32 $0xFFFFFE00  }
0x48: {  	_ =	swait.ge [sflag:s26], $0x100  }
0x49: {  	[sflag:s26] =	ssyncset.done $0x0  }
0x4a: {  	[sflag:s26] =	ssyncadd.s32 $0xFFFFFF00  }
0x4b: {  	_ =	swait.ge [sflag:s28], $0x4000  }
0x4c: {  	[sflag:s28] =	ssyncset.done $0x0  }
0x4d: {  	[sflag:s28] =	ssyncadd.s32 $0xFFFFC000  }
0x4e: {  	_ =	swait.ge [sflag:s29], $0x4000  }
0x4f: {  	[sflag:s29] =	ssyncset.done $0x0  }
0x50: {  	s22 =	simm.s32 $0x0;
	s23 =	simm.s32 $0x0;
	[sflag:s29] =	ssyncadd.s32 $0xFFFFC000  }
.LBB2_10:
0x51: {  	s24 =	sshll.u32 s23, $0x4  }
0x52: {  	v9 =	vmov s22;
	v8 =	vmov s24  }
0x53: {  	v9 =	vshrl.u32 v9, $0x3;
	v8 =	vmul.u32 $0x48, v8  }
0x54: {  	v9 =	vshll.u32 v9, $0x3  }
0x55: {  	v9 =	vadd.s32 v8, v9  }
0x56: {  	v9 =	vbroadcast v9, $0x0;
	_ =	sdelay $0x1  }
0x57: {  	v13 =	vadd.s32 v4, v9  }
0x58: {  	v14 =	vadd.s32 v5, v9  }
0x59: {  	v15 =	vadd.s32 v6, v9  }
0x5a: {  	v16 =	vadd.s32 v7, v9  }
0x5b: {  	v17 =	vadd.s32 v0, v9  }
0x5c: {  	v18 =	vadd.s32 v1, v9;
	v22 =	vld.idx.msk [tilespmem:v13+s30+$0x0], $0xffff  }
0x5d: {  	v19 =	vadd.s32 v2, v9;
	v30 =	vld.idx.msk [tilespmem:v14+s30+$0x0], $0xffff  }
0x5e: {  	v20 =	vadd.s32 v3, v9;
	v10 =	vld.idx.msk [tilespmem:v15+s30+$0x0], $0xffff  }
0x5f: {  	v9 =	vld.idx.msk [tilespmem:v16+s30+$0x0], $0xffff  }
0x60: {  	v34 =	vld.idx.msk [tilespmem:v17+s30+$0x0], $0xffff  }
0x61: {  	v36 =	vld.idx.msk [tilespmem:v18+s30+$0x0], $0xffff  }
0x62: {  	v11 =	vld.idx.msk [tilespmem:v19+s30+$0x0], $0xffff  }
0x63: {  	v12 =	vld.idx.msk [tilespmem:v20+s30+$0x0], $0xffff  }
0x64: {  	v13 =	vld.idx.msk [tilespmem:v13+s2+$0x0], $0xffff  }
0x65: {  	v14 =	vld.idx.msk [tilespmem:v14+s2+$0x0], $0xffff  }
0x66: {  	v17 =	vld.idx.msk [tilespmem:v17+s2+$0x0], $0xffff  }
0x67: {  	v18 =	vld.idx.msk [tilespmem:v18+s2+$0x0], $0xffff  }
0x68: {  	s4 =	simm.s32 $0x8;
	v19 =	vld.idx.msk [tilespmem:v19+s2+$0x0], $0xffff  }
0x69: {  	v21 =	vmov s4;
	v23 =	vld.idx.msk [tilespmem:v20+s2+$0x0], $0xffff  }
0x6a: {  	v20 =	vshrl.u32 v21, $0x3;
	v15 =	vld.idx.msk [tilespmem:v15+s2+$0x0], $0xffff  }
0x6b: {  	v16 =	vld.idx.msk [tilespmem:v16+s2+$0x0], $0xffff;
	v20 =	vshll.u32 v20, $0x3  }
0x6c: {  	v20 =	vadd.s32 v8, v20;
	v13 =	vld.idx.msk [tilespmem:v13+s21+$0x0], $0xffff  }
0x6d: {  	v33 =	vbroadcast v20, $0x0;
	v35 =	vld.idx.msk [tilespmem:v14+s21+$0x0], $0xffff  }
0x6e: {  	v17 =	vld.idx.msk [tilespmem:v17+s21+$0x0], $0xffff  }
0x6f: {  	v20 =	vadd.s32 v4, v33;
	v37 =	vld.idx.msk [tilespmem:v18+s21+$0x0], $0xffff  }
0x70: {  	v21 =	vadd.s32 v5, v33;
	v28 =	vld.idx.msk [tilespmem:v19+s21+$0x0], $0xffff  }
0x71: {  	v18 =	vadd.s32 v6, v33;
	v32 =	vld.idx.msk [tilespmem:v23+s21+$0x0], $0xffff  }
0x72: {  	v26 =	vld.idx.msk [tilespmem:v15+s21+$0x0], $0xffff;
	v19 =	vadd.s32 v7, v33  }
0x73: {  	v25 =	vadd.s32 v0, v33;
	v27 =	vadd.s32 v1, v33;
	v29 =	vadd.s32 v2, v33;
	v24 =	vld.idx.msk [tilespmem:v16+s21+$0x0], $0xffff  }
0x74: {  	v14 =	vimm.f32 $0.0e+00;
	v33 =	vadd.s32 v3, v33;
	v16 =	vimm.f32 $0.0e+00;
	v23 =	vld.idx.msk [tilespmem:v20+s30+$0x0], $0xffff  }
0x75: {  	v15 =	vimm.f32 $0.0e+00;
	v31 =	vmul.f32 v13, v22;
	v30 =	vmul.f32 v35, v30;
	v13 =	vld.idx.msk [tilespmem:v21+s30+$0x0], $0xffff  }
0x76: {  	s4 =	simm.s32 $0x10;
	v35 =	vmul.f32 v17, v34;
	v34 =	vmul.f32 v37, v36;
	v22 =	vld.idx.msk [tilespmem:v18+s30+$0x0], $0xffff;
	v17 =	vimm.f32 $0.0e+00  }
.LBB2_11:
0x77: {  	p1 =	sne.s32 s4, $0x38;
	v36 =	vld.idx.msk [tilespmem:v19+s30+$0x0], $0xffff;
	v11 =	vmul.f32 v28, v11;
	v12 =	vmul.f32 v32, v12  }
0x78: {  	v10 =	vmul.f32 v26, v10;
	v37 =	vld.idx.msk [tilespmem:v25+s30+$0x0], $0xffff;
	v14 =	vadd.f32 v35, v14;
	v17 =	vadd.f32 v34, v17  }
0x79: {  	v9 =	vmul.f32 v24, v9;
	v34 =	vld.idx.msk [tilespmem:v27+s30+$0x0], $0xffff;
	v16 =	vadd.f32 v11, v16;
	v15 =	vadd.f32 v12, v15  }
0x7a: {  	v11 =	vld.idx.msk [tilespmem:v29+s30+$0x0], $0xffff;
	v14 =	vadd.f32 v31, v14;
	v17 =	vadd.f32 v30, v17;
	v30 =	vmov v23  }
0x7b: {  	v12 =	vld.idx.msk [tilespmem:v33+s30+$0x0], $0xffff;
	v16 =	vadd.f32 v10, v16;
	v15 =	vadd.f32 v9, v15  }
0x7c: {  	v10 =	vmov v22;
	v20 =	vld.idx.msk [tilespmem:v20+s2+$0x0], $0xffff  }
0x7d: {  	v9 =	vmov v36;
	v21 =	vld.idx.msk [tilespmem:v21+s2+$0x0], $0xffff  }
0x7e: {  	v22 =	vld.idx.msk [tilespmem:v25+s2+$0x0], $0xffff  }
0x7f: {  	v23 =	vld.idx.msk [tilespmem:v27+s2+$0x0], $0xffff  }
0x80: {  	v24 =	vld.idx.msk [tilespmem:v29+s2+$0x0], $0xffff  }
0x81: {  	v25 =	vmov s4;
	v26 =	vld.idx.msk [tilespmem:v33+s2+$0x0], $0xffff  }
0x82: {  	v25 =	vshrl.u32 v25, $0x3;
	v27 =	vld.idx.msk [tilespmem:v18+s2+$0x0], $0xffff  }
0x83: {  	v18 =	vshll.u32 v25, $0x3;
	v29 =	vld.idx.msk [tilespmem:v19+s2+$0x0], $0xffff  }
0x84: {  	v18 =	vadd.s32 v8, v18;
	v31 =	vld.idx.msk [tilespmem:v20+s21+$0x0], $0xffff  }
0x85: {  	v33 =	vbroadcast v18, $0x0;
	v35 =	vld.idx.msk [tilespmem:v21+s21+$0x0], $0xffff  }
0x86: {  	v36 =	vld.idx.msk [tilespmem:v22+s21+$0x0], $0xffff  }
0x87: {  	v20 =	vadd.s32 v4, v33;
	v38 =	vld.idx.msk [tilespmem:v23+s21+$0x0], $0xffff  }
0x88: {  	v21 =	vadd.s32 v5, v33;
	v28 =	vld.idx.msk [tilespmem:v24+s21+$0x0], $0xffff  }
0x89: {  	v18 =	vadd.s32 v6, v33;
	v32 =	vld.idx.msk [tilespmem:v26+s21+$0x0], $0xffff  }
.Ltmp4:
0x8a: {  	v19 =	vadd.s32 v7, v33;
	v26 =	vld.idx.msk [tilespmem:v27+s21+$0x0], $0xffff;
	(pc) =	sbr.rel @p1 .LBB2_11-.Ltmp4, $4  }
0x8b: {  	v25 =	vadd.s32 v0, v33;
	v24 =	vld.idx.msk [tilespmem:v29+s21+$0x0], $0xffff  }
0x8c: {  	v27 =	vadd.s32 v1, v33;
	v23 =	vld.idx.msk [tilespmem:v20+s30+$0x0], $0xffff  }
0x8d: {  	v31 =	vmul.f32 v31, v30;
	v30 =	vmul.f32 v35, v13;
	v29 =	vadd.s32 v2, v33;
	v13 =	vld.idx.msk [tilespmem:v21+s30+$0x0], $0xffff  }
0x8e: {  	s4 =	sadd.s32 $0x8, s4;
	v33 =	vadd.s32 v3, v33;
	v35 =	vmul.f32 v36, v37;
	v34 =	vmul.f32 v38, v34;
	v22 =	vld.idx.msk [tilespmem:v18+s30+$0x0], $0xffff  }
0x8f: {  	_ =	sdelay $0x3  }
0x90: {  	v8 =	vld.idx.msk [tilespmem:v19+s30+$0x0], $0xffff  }
0x91: {  	v36 =	vld.idx.msk [tilespmem:v25+s30+$0x0], $0xffff  }
0x92: {  	v37 =	vld.idx.msk [tilespmem:v27+s30+$0x0], $0xffff  }
0x93: {  	v38 =	vld.idx.msk [tilespmem:v29+s30+$0x0], $0xffff  }
0x94: {  	v39 =	vld.idx.msk [tilespmem:v33+s30+$0x0], $0xffff  }
0x95: {  	v20 =	vld.idx.msk [tilespmem:v20+s2+$0x0], $0xffff  }
0x96: {  	v21 =	vld.idx.msk [tilespmem:v21+s2+$0x0], $0xffff  }
0x97: {  	v47 =	vld.idx.msk [tilespmem:v25+s2+$0x0], $0xffff  }
0x98: {  	v48 =	vld.idx.msk [tilespmem:v27+s2+$0x0], $0xffff  }
0x99: {  	v49 =	vld.idx.msk [tilespmem:v29+s2+$0x0], $0xffff  }
0x9a: {  	v50 =	vld.idx.msk [tilespmem:v33+s2+$0x0], $0xffff  }
0x9b: {  	v18 =	vld.idx.msk [tilespmem:v18+s2+$0x0], $0xffff  }
0x9c: {  	v51 =	vld.idx.msk [tilespmem:v19+s2+$0x0], $0xffff  }
0x9d: {  	v20 =	vld.idx.msk [tilespmem:v20+s21+$0x0], $0xffff  }
0x9e: {  	v21 =	vld.idx.msk [tilespmem:v21+s21+$0x0], $0xffff  }
0x9f: {  	v25 =	vld.idx.msk [tilespmem:v47+s21+$0x0], $0xffff  }
0xa0: {  	v27 =	vld.idx.msk [tilespmem:v48+s21+$0x0], $0xffff  }
0xa1: {  	v11 =	vmul.f32 v28, v11;
	v52 =	vld.idx.msk [tilespmem:v49+s21+$0x0], $0xffff  }
0xa2: {  	v12 =	vmul.f32 v32, v12;
	v14 =	vadd.f32 v35, v14;
	v53 =	vld.idx.msk [tilespmem:v50+s21+$0x0], $0xffff  }
0xa3: {  	v10 =	vmul.f32 v26, v10;
	v17 =	vadd.f32 v34, v17;
	v11 =	vadd.f32 v11, v16;
	v54 =	vld.idx.msk [tilespmem:v18+s21+$0x0], $0xffff  }
0xa4: {  	v9 =	vmul.f32 v24, v9;
	v12 =	vadd.f32 v12, v15;
	v14 =	vadd.f32 v31, v14;
	v55 =	vld.idx.msk [tilespmem:v51+s21+$0x0], $0xffff  }
0xa5: {  	v17 =	vadd.f32 v30, v17;
	v56 =	vmul.f32 v20, v23;
	v13 =	vmul.f32 v21, v13  }
0xa6: {  	v10 =	vadd.f32 v10, v11;
	v57 =	vmul.f32 v25, v36;
	v58 =	vmul.f32 v27, v37  }
0xa7: {  	v9 =	vadd.f32 v9, v12;
	v59 =	vmul.f32 v52, v38;
	v60 =	vmul.f32 v53, v39  }
0xa8: {  	v16 =	vmul.f32 v54, v22;
	v11 =	vadd.f32 v57, v14;
	v61 =	vadd.f32 v58, v17  }
0xa9: {  	v8 =	vmul.f32 v55, v8;
	v10 =	vadd.f32 v59, v10;
	v9 =	vadd.f32 v60, v9  }
0xaa: {  	v11 =	vadd.f32 v56, v11;
	v62 =	vadd.f32 v13, v61  }
0xab: {  	v10 =	vadd.f32 v16, v10;
	v8 =	vadd.f32 v8, v9  }
0xac: {  	v63 =	vld [tilespmem:s24+$0x14000]  }
0xad: {  	v11 =	vadd.f32 v62, v11;
	v8 =	vadd.f32 v8, v10  }
0xae: {  	s23 =	sadd.s32 $0x1, s23  }
0xaf: {  	p1 =	sne.s32 s23, $0x10;
	v8 =	vadd.f32 v8, v11  }
.Ltmp5:
0xb0: {  	_ = 	snop;
	(pc) =	sbr.rel @p1 .LBB2_10-.Ltmp5, $3  }
0xb1: {  	v8 =	vadd.f32 v63, v8;
	_ =	sdelay $0x1  }
0xb2: {  	v8 =	vmax.f32 v8, $0.0e+00  }
0xb3: {  	[tilespmem:s24+$0x14500] =	vst v8  }
0xb4: {  	_ =	swait.ge [sflag:s31], $0x4000  }
0xb5: {  	[sflag:s31] =	ssyncset.done $0x0  }
0xb6: {  	[sflag:s31] =	ssyncadd.s32 $0xFFFFC000  }
0xb7: {  	_ =	swait.ge [sflag:s0], $0x4000  }
0xb8: {  	[sflag:s0] =	ssyncset.done $0x0  }
0xb9: {  	s22 =	simm.s32 $0x0;
	s23 =	simm.s32 $0x0;
	[sflag:s0] =	ssyncadd.s32 $0xFFFFC000  }
.LBB2_14:
0xba: {  	s4 =	sshll.u32 s23, $0x4  }
0xbb: {  	s24 =	sadd.s32 $0x100, s4  }
0xbc: {  	v9 =	vmov s22;
	v8 =	vmov s24  }
0xbd: {  	v9 =	vshrl.u32 v9, $0x3;
	v8 =	vmul.u32 $0x48, v8  }
0xbe: {  	v9 =	vshll.u32 v9, $0x3  }
0xbf: {  	v9 =	vadd.s32 v8, v9  }
0xc0: {  	v9 =	vbroadcast v9, $0x0;
	_ =	sdelay $0x1  }
0xc1: {  	v13 =	vadd.s32 v4, v9  }
0xc2: {  	v14 =	vadd.s32 v5, v9  }
0xc3: {  	v15 =	vadd.s32 v6, v9  }
0xc4: {  	v16 =	vadd.s32 v7, v9  }
0xc5: {  	v17 =	vadd.s32 v0, v9  }
0xc6: {  	v18 =	vadd.s32 v1, v9;
	v22 =	vld.idx.msk [tilespmem:v13+s30+$0x0], $0xffff  }
0xc7: {  	v19 =	vadd.s32 v2, v9;
	v30 =	vld.idx.msk [tilespmem:v14+s30+$0x0], $0xffff  }
0xc8: {  	v20 =	vadd.s32 v3, v9;
	v10 =	vld.idx.msk [tilespmem:v15+s30+$0x0], $0xffff  }
0xc9: {  	v9 =	vld.idx.msk [tilespmem:v16+s30+$0x0], $0xffff  }
0xca: {  	v34 =	vld.idx.msk [tilespmem:v17+s30+$0x0], $0xffff  }
0xcb: {  	v36 =	vld.idx.msk [tilespmem:v18+s30+$0x0], $0xffff  }
0xcc: {  	v11 =	vld.idx.msk [tilespmem:v19+s30+$0x0], $0xffff  }
0xcd: {  	v12 =	vld.idx.msk [tilespmem:v20+s30+$0x0], $0xffff  }
0xce: {  	v13 =	vld.idx.msk [tilespmem:v13+s2+$0x0], $0xffff  }
0xcf: {  	v14 =	vld.idx.msk [tilespmem:v14+s2+$0x0], $0xffff  }
0xd0: {  	v17 =	vld.idx.msk [tilespmem:v17+s2+$0x0], $0xffff  }
0xd1: {  	v18 =	vld.idx.msk [tilespmem:v18+s2+$0x0], $0xffff  }
0xd2: {  	s4 =	simm.s32 $0x8;
	v19 =	vld.idx.msk [tilespmem:v19+s2+$0x0], $0xffff  }
0xd3: {  	v21 =	vmov s4;
	v23 =	vld.idx.msk [tilespmem:v20+s2+$0x0], $0xffff  }
0xd4: {  	v20 =	vshrl.u32 v21, $0x3;
	v15 =	vld.idx.msk [tilespmem:v15+s2+$0x0], $0xffff  }
0xd5: {  	v16 =	vld.idx.msk [tilespmem:v16+s2+$0x0], $0xffff;
	v20 =	vshll.u32 v20, $0x3  }
0xd6: {  	v20 =	vadd.s32 v8, v20;
	v13 =	vld.idx.msk [tilespmem:v13+s21+$0x0], $0xffff  }
0xd7: {  	v33 =	vbroadcast v20, $0x0;
	v35 =	vld.idx.msk [tilespmem:v14+s21+$0x0], $0xffff  }
0xd8: {  	v17 =	vld.idx.msk [tilespmem:v17+s21+$0x0], $0xffff  }
0xd9: {  	v20 =	vadd.s32 v4, v33;
	v37 =	vld.idx.msk [tilespmem:v18+s21+$0x0], $0xffff  }
0xda: {  	v21 =	vadd.s32 v5, v33;
	v28 =	vld.idx.msk [tilespmem:v19+s21+$0x0], $0xffff  }
0xdb: {  	v18 =	vadd.s32 v6, v33;
	v32 =	vld.idx.msk [tilespmem:v23+s21+$0x0], $0xffff  }
0xdc: {  	v26 =	vld.idx.msk [tilespmem:v15+s21+$0x0], $0xffff;
	v19 =	vadd.s32 v7, v33  }
0xdd: {  	v25 =	vadd.s32 v0, v33;
	v27 =	vadd.s32 v1, v33;
	v29 =	vadd.s32 v2, v33;
	v24 =	vld.idx.msk [tilespmem:v16+s21+$0x0], $0xffff  }
0xde: {  	v14 =	vimm.f32 $0.0e+00;
	v33 =	vadd.s32 v3, v33;
	v16 =	vimm.f32 $0.0e+00;
	v23 =	vld.idx.msk [tilespmem:v20+s30+$0x0], $0xffff  }
0xdf: {  	v15 =	vimm.f32 $0.0e+00;
	v31 =	vmul.f32 v13, v22;
	v30 =	vmul.f32 v35, v30;
	v13 =	vld.idx.msk [tilespmem:v21+s30+$0x0], $0xffff  }
0xe0: {  	s4 =	simm.s32 $0x10;
	v35 =	vmul.f32 v17, v34;
	v34 =	vmul.f32 v37, v36;
	v22 =	vld.idx.msk [tilespmem:v18+s30+$0x0], $0xffff;
	v17 =	vimm.f32 $0.0e+00  }
.LBB2_15:
0xe1: {  	p1 =	sne.s32 s4, $0x38;
	v36 =	vld.idx.msk [tilespmem:v19+s30+$0x0], $0xffff;
	v11 =	vmul.f32 v28, v11;
	v12 =	vmul.f32 v32, v12  }
0xe2: {  	v10 =	vmul.f32 v26, v10;
	v37 =	vld.idx.msk [tilespmem:v25+s30+$0x0], $0xffff;
	v14 =	vadd.f32 v35, v14;
	v17 =	vadd.f32 v34, v17  }
0xe3: {  	v9 =	vmul.f32 v24, v9;
	v34 =	vld.idx.msk [tilespmem:v27+s30+$0x0], $0xffff;
	v16 =	vadd.f32 v11, v16;
	v15 =	vadd.f32 v12, v15  }
0xe4: {  	v11 =	vld.idx.msk [tilespmem:v29+s30+$0x0], $0xffff;
	v14 =	vadd.f32 v31, v14;
	v17 =	vadd.f32 v30, v17;
	v30 =	vmov v23  }
0xe5: {  	v12 =	vld.idx.msk [tilespmem:v33+s30+$0x0], $0xffff;
	v16 =	vadd.f32 v10, v16;
	v15 =	vadd.f32 v9, v15  }
0xe6: {  	v10 =	vmov v22;
	v20 =	vld.idx.msk [tilespmem:v20+s2+$0x0], $0xffff  }
0xe7: {  	v9 =	vmov v36;
	v21 =	vld.idx.msk [tilespmem:v21+s2+$0x0], $0xffff  }
0xe8: {  	v22 =	vld.idx.msk [tilespmem:v25+s2+$0x0], $0xffff  }
0xe9: {  	v23 =	vld.idx.msk [tilespmem:v27+s2+$0x0], $0xffff  }
0xea: {  	v24 =	vld.idx.msk [tilespmem:v29+s2+$0x0], $0xffff  }
0xeb: {  	v25 =	vmov s4;
	v26 =	vld.idx.msk [tilespmem:v33+s2+$0x0], $0xffff  }
0xec: {  	v25 =	vshrl.u32 v25, $0x3;
	v27 =	vld.idx.msk [tilespmem:v18+s2+$0x0], $0xffff  }
0xed: {  	v18 =	vshll.u32 v25, $0x3;
	v29 =	vld.idx.msk [tilespmem:v19+s2+$0x0], $0xffff  }
0xee: {  	v18 =	vadd.s32 v8, v18;
	v31 =	vld.idx.msk [tilespmem:v20+s21+$0x0], $0xffff  }
0xef: {  	v33 =	vbroadcast v18, $0x0;
	v35 =	vld.idx.msk [tilespmem:v21+s21+$0x0], $0xffff  }
0xf0: {  	v36 =	vld.idx.msk [tilespmem:v22+s21+$0x0], $0xffff  }
0xf1: {  	v20 =	vadd.s32 v4, v33;
	v38 =	vld.idx.msk [tilespmem:v23+s21+$0x0], $0xffff  }
0xf2: {  	v21 =	vadd.s32 v5, v33;
	v28 =	vld.idx.msk [tilespmem:v24+s21+$0x0], $0xffff  }
0xf3: {  	v18 =	vadd.s32 v6, v33;
	v32 =	vld.idx.msk [tilespmem:v26+s21+$0x0], $0xffff  }
.Ltmp6:
0xf4: {  	v19 =	vadd.s32 v7, v33;
	v26 =	vld.idx.msk [tilespmem:v27+s21+$0x0], $0xffff;
	(pc) =	sbr.rel @p1 .LBB2_15-.Ltmp6, $4  }
0xf5: {  	v25 =	vadd.s32 v0, v33;
	v24 =	vld.idx.msk [tilespmem:v29+s21+$0x0], $0xffff  }
0xf6: {  	v27 =	vadd.s32 v1, v33;
	v23 =	vld.idx.msk [tilespmem:v20+s30+$0x0], $0xffff  }
0xf7: {  	v31 =	vmul.f32 v31, v30;
	v30 =	vmul.f32 v35, v13;
	v29 =	vadd.s32 v2, v33;
	v13 =	vld.idx.msk [tilespmem:v21+s30+$0x0], $0xffff  }
0xf8: {  	s4 =	sadd.s32 $0x8, s4;
	v33 =	vadd.s32 v3, v33;
	v35 =	vmul.f32 v36, v37;
	v34 =	vmul.f32 v38, v34;
	v22 =	vld.idx.msk [tilespmem:v18+s30+$0x0], $0xffff  }
0xf9: {  	_ =	sdelay $0x3  }
0xfa: {  	v8 =	vld.idx.msk [tilespmem:v19+s30+$0x0], $0xffff  }
0xfb: {  	v36 =	vld.idx.msk [tilespmem:v25+s30+$0x0], $0xffff  }
0xfc: {  	v37 =	vld.idx.msk [tilespmem:v27+s30+$0x0], $0xffff  }
0xfd: {  	v38 =	vld.idx.msk [tilespmem:v29+s30+$0x0], $0xffff  }
0xfe: {  	v39 =	vld.idx.msk [tilespmem:v33+s30+$0x0], $0xffff  }
0xff: {  	v20 =	vld.idx.msk [tilespmem:v20+s2+$0x0], $0xffff  }
0x100: {  	v21 =	vld.idx.msk [tilespmem:v21+s2+$0x0], $0xffff  }
0x101: {  	v47 =	vld.idx.msk [tilespmem:v25+s2+$0x0], $0xffff  }
0x102: {  	v48 =	vld.idx.msk [tilespmem:v27+s2+$0x0], $0xffff  }
0x103: {  	v49 =	vld.idx.msk [tilespmem:v29+s2+$0x0], $0xffff  }
0x104: {  	v50 =	vld.idx.msk [tilespmem:v33+s2+$0x0], $0xffff  }
0x105: {  	v18 =	vld.idx.msk [tilespmem:v18+s2+$0x0], $0xffff  }
0x106: {  	v51 =	vld.idx.msk [tilespmem:v19+s2+$0x0], $0xffff  }
0x107: {  	v20 =	vld.idx.msk [tilespmem:v20+s21+$0x0], $0xffff  }
0x108: {  	v21 =	vld.idx.msk [tilespmem:v21+s21+$0x0], $0xffff  }
0x109: {  	v25 =	vld.idx.msk [tilespmem:v47+s21+$0x0], $0xffff  }
0x10a: {  	v27 =	vld.idx.msk [tilespmem:v48+s21+$0x0], $0xffff  }
0x10b: {  	v11 =	vmul.f32 v28, v11;
	v52 =	vld.idx.msk [tilespmem:v49+s21+$0x0], $0xffff  }
0x10c: {  	v12 =	vmul.f32 v32, v12;
	v14 =	vadd.f32 v35, v14;
	v53 =	vld.idx.msk [tilespmem:v50+s21+$0x0], $0xffff  }
0x10d: {  	v10 =	vmul.f32 v26, v10;
	v17 =	vadd.f32 v34, v17;
	v11 =	vadd.f32 v11, v16;
	v54 =	vld.idx.msk [tilespmem:v18+s21+$0x0], $0xffff  }
0x10e: {  	v9 =	vmul.f32 v24, v9;
	v12 =	vadd.f32 v12, v15;
	v14 =	vadd.f32 v31, v14;
	v55 =	vld.idx.msk [tilespmem:v51+s21+$0x0], $0xffff  }
0x10f: {  	v17 =	vadd.f32 v30, v17;
	v56 =	vmul.f32 v20, v23;
	v13 =	vmul.f32 v21, v13  }
0x110: {  	v10 =	vadd.f32 v10, v11;
	v57 =	vmul.f32 v25, v36;
	v58 =	vmul.f32 v27, v37  }
0x111: {  	v9 =	vadd.f32 v9, v12;
	v59 =	vmul.f32 v52, v38;
	v60 =	vmul.f32 v53, v39  }
0x112: {  	v16 =	vmul.f32 v54, v22;
	v11 =	vadd.f32 v57, v14;
	v61 =	vadd.f32 v58, v17  }
0x113: {  	v8 =	vmul.f32 v55, v8;
	v10 =	vadd.f32 v59, v10;
	v9 =	vadd.f32 v60, v9  }
0x114: {  	v11 =	vadd.f32 v56, v11;
	v62 =	vadd.f32 v13, v61  }
0x115: {  	v10 =	vadd.f32 v16, v10;
	v8 =	vadd.f32 v8, v9  }
0x116: {  	v63 =	vld [tilespmem:s24+$0x14000]  }
0x117: {  	v11 =	vadd.f32 v62, v11;
	v8 =	vadd.f32 v8, v10  }
0x118: {  	s23 =	sadd.s32 $0x1, s23  }
0x119: {  	p1 =	sne.s32 s23, $0x10;
	v8 =	vadd.f32 v8, v11  }
.Ltmp7:
0x11a: {  	_ = 	snop;
	(pc) =	sbr.rel @p1 .LBB2_14-.Ltmp7, $3  }
0x11b: {  	v8 =	vadd.f32 v63, v8;
	_ =	sdelay $0x1  }
0x11c: {  	v8 =	vmax.f32 v8, $0.0e+00  }
0x11d: {  	[tilespmem:s24+$0x14500] =	vst v8  }
0x11e: {  	s4 =	simm.s32 $0x0  }
0x11f: {  	s22 =	simm.s32 $0x8;
	s24 =	sadd.s32 $0x0, s11;
	s23 =	simm.s32 $0x48  }
.LBB2_18:
0x120: {  	[tilespmem:s4], [sflag:$0x1] =	stream.linear.gather [hbm4b:s24+s2], $0x40, $0x38;
	[tilespmem:$0x14700] =	vst v63  }
0x121: {  	s24 =	smov.u32 s22;
	s4 =	smov.u32 s23;
	p1 =	sne.s32 s22, $0xFF8  }
.Ltmp8:
0x122: {  	s22 =	sadd.s32 $0x8, s22;
	(pc) =	sbr.rel @p1 .LBB2_18-.Ltmp8, $2  }
0x123: {  	_ =	sdelay $0x2  }
0x124: {  	s23 =	sadd.s32 $0x48, s23;
	s24 =	sadd.s32 s24, s11  }
0x125: {  	[tilespmem:s4], [sflag:$0x1] =	stream.linear.gather [hbm4b:s24+s2], $0x40, $0x38;
	[tilespmem:$0x14700] =	vst v63  }
0x126: {  	s4 =	simm.s32 $0x9000  }
0x127: {  	s22 =	simm.s32 $0x8;
	s24 =	sadd.s32 $0x0, s12;
	s23 =	simm.s32 $0x9048  }
.LBB2_20:
0x128: {  	[tilespmem:s4], [sflag:$0x3] =	stream.linear.gather [hbm4b:s24+s2], $0x40, $0x38;
	[tilespmem:$0x14700] =	vst v63  }
0x129: {  	s24 =	smov.u32 s22;
	s4 =	smov.u32 s23;
	p1 =	sne.s32 s22, $0xFF8  }
.Ltmp9:
0x12a: {  	s22 =	sadd.s32 $0x8, s22;
	(pc) =	sbr.rel @p1 .LBB2_20-.Ltmp9, $2  }
0x12b: {  	_ =	sdelay $0x2  }
0x12c: {  	s23 =	sadd.s32 $0x48, s23;
	s24 =	sadd.s32 s24, s12  }
0x12d: {  	[tilespmem:s4], [sflag:$0x3] =	stream.linear.gather [hbm4b:s24+s2], $0x40, $0x38;
	[tilespmem:$0x14700] =	vst v63  }
0x12e: {  	s22 =	simm.s32 $0x0  }
0x12f: {  	[hbm4b:s13+s22] =	stream.linear.scatter [tilespmem:s3], [sflag:$0x5], $0x200, $0x38;
	[tilespmem:$0x14700] =	vst v63  }
0x130: {  	_ =	swait.ge [sflag:s25], $0x200  }
0x131: {  	[sflag:s25] =	ssyncset.done $0x0  }
0x132: {  	[sflag:s25] =	ssyncadd.s32 $0xFFFFFE00  }
0x133: {  	[bflag:$0x0] =	sbarrier.arrive $0xFFFF  }
0x134: {  	[tilespmem:s21], [sflag:$0x5] =	stream.linear.gather [hbm4b:s14+s22], $0x2000, $0x38;
	[tilespmem:$0x14700] =	vst v63  }
0x135: {  	_ =	swait.ge [sflag:s25], $0x2000  }
0x136: {  	[sflag:s25] =	ssyncset.done $0x0  }
0x137: {  	[sflag:s25] =	ssyncadd.s32 $0xFFFFE000  }
0x138: {  	_ =	swait.ge [sflag:s28], $0x8000  }
0x139: {  	[sflag:s28] =	ssyncset.done $0x0  }
0x13a: {  	[sflag:s28] =	ssyncadd.s32 $0xFFFF8000  }
0x13b: {  	_ =	swait.ge [sflag:s29], $0x8000  }
0x13c: {  	[sflag:s29] =	ssyncset.done $0x0  }
0x13d: {  	s23 =	simm.s32 $0x0;
	[sflag:s29] =	ssyncadd.s32 $0xFFFF8000  }
.LBB2_22:
0x13e: {  	s24 =	sshll.u32 s23, $0x4  }
0x13f: {  	v9 =	vmov s22;
	v8 =	vmov s24  }
0x140: {  	v12 =	vmul.u32 $0x48, v8;
	v8 =	vshrl.u32 v9, $0x3  }
0x141: {  	v8 =	vshll.u32 v8, $0x3  }
0x142: {  	v8 =	vadd.s32 v12, v8  }
0x143: {  	v14 =	vbroadcast v8, $0x0;
	_ =	sdelay $0x1  }
0x144: {  	v15 =	vadd.s32 v4, v14  }
0x145: {  	v16 =	vadd.s32 v5, v14  }
0x146: {  	v17 =	vadd.s32 v6, v14  }
0x147: {  	v18 =	vadd.s32 v7, v14  }
0x148: {  	v19 =	vadd.s32 v0, v14  }
0x149: {  	v13 =	vld.idx.msk [tilespmem:v15+s30+$0x0], $0xffff  }
0x14a: {  	v8 =	vld.idx.msk [tilespmem:v16+s30+$0x0], $0xffff  }
0x14b: {  	v10 =	vld.idx.msk [tilespmem:v17+s30+$0x0], $0xffff  }
0x14c: {  	v20 =	vadd.s32 v1, v14;
	v9 =	vld.idx.msk [tilespmem:v18+s30+$0x0], $0xffff  }
0x14d: {  	v21 =	vadd.s32 v2, v14;
	v11 =	vld.idx.msk [tilespmem:v19+s30+$0x0], $0xffff  }
0x14e: {  	v14 =	vadd.s32 v3, v14;
	v15 =	vld.idx.msk [tilespmem:v15+s2+$0x0], $0xffff  }
0x14f: {  	v16 =	vld.idx.msk [tilespmem:v16+s2+$0x0], $0xffff  }
0x150: {  	v19 =	vld.idx.msk [tilespmem:v19+s2+$0x0], $0xffff  }
0x151: {  	v22 =	vld.idx.msk [tilespmem:v20+s2+$0x0], $0xffff  }
0x152: {  	v23 =	vld.idx.msk [tilespmem:v21+s2+$0x0], $0xffff  }
0x153: {  	v24 =	vld.idx.msk [tilespmem:v14+s2+$0x0], $0xffff  }
0x154: {  	v17 =	vld.idx.msk [tilespmem:v17+s2+$0x0], $0xffff  }
0x155: {  	v26 =	vld.idx.msk [tilespmem:v18+s2+$0x0], $0xffff;
	v15 =	vadd.s32 $0xFFFFF000, v15  }
0x156: {  	s4 =	simm.s32 $0x8;
	v18 =	vld.idx.msk [tilespmem:v20+s30+$0x0], $0xffff;
	v16 =	vadd.s32 $0xFFFFF000, v16  }
0x157: {  	v25 =	vadd.s32 $0xFFFFF000, v19;
	v19 =	vld.idx.msk [tilespmem:v21+s30+$0x0], $0xffff;
	v21 =	vmov s4  }
0x158: {  	v20 =	vld.idx.msk [tilespmem:v14+s30+$0x0], $0xffff;
	v27 =	vadd.s32 $0xFFFFF000, v22;
	v14 =	vshrl.u32 v21, $0x3  }
0x159: {  	v23 =	vadd.s32 $0xFFFFF000, v23;
	v14 =	vshll.u32 v14, $0x3  }
0x15a: {  	v24 =	vadd.s32 $0xFFFFF000, v24;
	v14 =	vadd.s32 v12, v14;
	v22 =	vld.idx.msk [tilespmem:v15+s21+$0x0], $0xffff  }
0x15b: {  	v33 =	vbroadcast v14, $0x0;
	v21 =	vld.idx.msk [tilespmem:v16+s21+$0x0], $0xffff;
	v15 =	vadd.s32 $0xFFFFF000, v17  }
0x15c: {  	v25 =	vld.idx.msk [tilespmem:v25+s21+$0x0], $0xffff;
	v16 =	vadd.s32 $0xFFFFF000, v26  }
0x15d: {  	v29 =	vld.idx.msk [tilespmem:v27+s21+$0x0], $0xffff;
	v32 =	vadd.s32 v4, v33  }
0x15e: {  	v27 =	vld.idx.msk [tilespmem:v23+s21+$0x0], $0xffff;
	v31 =	vadd.s32 v5, v33  }
0x15f: {  	v30 =	vld.idx.msk [tilespmem:v24+s21+$0x0], $0xffff;
	v24 =	vadd.s32 v6, v33  }
0x160: {  	v14 =	vimm.f32 $0.0e+00;
	v17 =	vimm.f32 $0.0e+00;
	v23 =	vadd.s32 v7, v33;
	v28 =	vld.idx.msk [tilespmem:v15+s21+$0x0], $0xffff  }
0x161: {  	s4 =	simm.s32 $0x10;
	v34 =	vadd.s32 v0, v33;
	v26 =	vld.idx.msk [tilespmem:v16+s21+$0x0], $0xffff;
	v16 =	vimm.f32 $0.0e+00;
	v15 =	vimm.f32 $0.0e+00  }
.LBB2_23:
0x162: {  	p1 =	sne.s32 s4, $0x38;
	v35 =	vld.idx.msk [tilespmem:v32+s30+$0x0], $0xffff  }
0x163: {  	v36 =	vadd.s32 v1, v33;
	v13 =	vmul.f32 v22, v13;
	v21 =	vmul.f32 v21, v8;
	v8 =	vld.idx.msk [tilespmem:v31+s30+$0x0], $0xffff  }
0x164: {  	v22 =	vadd.s32 v2, v33;
	v25 =	vmul.f32 v25, v11;
	v18 =	vmul.f32 v29, v18;
	v37 =	vld.idx.msk [tilespmem:v24+s30+$0x0], $0xffff  }
0x165: {  	v29 =	vadd.s32 v3, v33;
	v19 =	vmul.f32 v27, v19;
	v20 =	vmul.f32 v30, v20;
	v33 =	vld.idx.msk [tilespmem:v23+s30+$0x0], $0xffff  }
0x166: {  	v14 =	vadd.f32 v25, v14;
	v17 =	vadd.f32 v18, v17;
	v10 =	vmul.f32 v28, v10;
	v11 =	vld.idx.msk [tilespmem:v34+s30+$0x0], $0xffff  }
0x167: {  	v16 =	vadd.f32 v19, v16;
	v15 =	vadd.f32 v20, v15;
	v9 =	vmul.f32 v26, v9;
	v18 =	vld.idx.msk [tilespmem:v32+s2+$0x0], $0xffff  }
0x168: {  	v14 =	vadd.f32 v13, v14;
	v17 =	vadd.f32 v21, v17;
	v13 =	vmov v35;
	v19 =	vld.idx.msk [tilespmem:v31+s2+$0x0], $0xffff  }
0x169: {  	v16 =	vadd.f32 v10, v16;
	v15 =	vadd.f32 v9, v15;
	v20 =	vld.idx.msk [tilespmem:v34+s2+$0x0], $0xffff  }
0x16a: {  	v10 =	vmov v37;
	v21 =	vld.idx.msk [tilespmem:v36+s2+$0x0], $0xffff  }
0x16b: {  	v9 =	vmov v33;
	v25 =	vld.idx.msk [tilespmem:v22+s2+$0x0], $0xffff  }
0x16c: {  	v26 =	vld.idx.msk [tilespmem:v29+s2+$0x0], $0xffff  }
0x16d: {  	v27 =	vadd.s32 $0xFFFFF000, v18;
	v24 =	vld.idx.msk [tilespmem:v24+s2+$0x0], $0xffff  }
0x16e: {  	v28 =	vadd.s32 $0xFFFFF000, v19;
	v23 =	vld.idx.msk [tilespmem:v23+s2+$0x0], $0xffff  }
0x16f: {  	v19 =	vmov s4;
	v30 =	vadd.s32 $0xFFFFF000, v20;
	v18 =	vld.idx.msk [tilespmem:v36+s30+$0x0], $0xffff  }
0x170: {  	v20 =	vshrl.u32 v19, $0x3;
	v31 =	vadd.s32 $0xFFFFF000, v21;
	v19 =	vld.idx.msk [tilespmem:v22+s30+$0x0], $0xffff  }
0x171: {  	v21 =	vshll.u32 v20, $0x3;
	v34 =	vadd.s32 $0xFFFFF000, v25;
	v20 =	vld.idx.msk [tilespmem:v29+s30+$0x0], $0xffff  }
0x172: {  	v21 =	vadd.s32 v12, v21;
	v26 =	vadd.s32 $0xFFFFF000, v26;
	v22 =	vld.idx.msk [tilespmem:v27+s21+$0x0], $0xffff  }
0x173: {  	v33 =	vbroadcast v21, $0x0;
	v21 =	vld.idx.msk [tilespmem:v28+s21+$0x0], $0xffff;
	v28 =	vadd.s32 $0xFFFFF000, v24  }
0x174: {  	v35 =	vadd.s32 $0xFFFFF000, v23;
	v25 =	vld.idx.msk [tilespmem:v30+s21+$0x0], $0xffff  }
.Ltmp10:
0x175: {  	v32 =	vadd.s32 v4, v33;
	v29 =	vld.idx.msk [tilespmem:v31+s21+$0x0], $0xffff;
	(pc) =	sbr.rel @p1 .LBB2_23-.Ltmp10, $4  }
0x176: {  	v31 =	vadd.s32 v5, v33;
	v27 =	vld.idx.msk [tilespmem:v34+s21+$0x0], $0xffff  }
0x177: {  	v24 =	vadd.s32 v6, v33;
	v30 =	vld.idx.msk [tilespmem:v26+s21+$0x0], $0xffff  }
0x178: {  	v23 =	vadd.s32 v7, v33;
	v28 =	vld.idx.msk [tilespmem:v28+s21+$0x0], $0xffff  }
0x179: {  	s4 =	sadd.s32 $0x8, s4;
	v34 =	vadd.s32 v0, v33;
	v26 =	vld.idx.msk [tilespmem:v35+s21+$0x0], $0xffff  }
0x17a: {  	_ =	sdelay $0x3  }
0x17b: {  	v12 =	vld.idx.msk [tilespmem:v32+s30+$0x0], $0xffff  }
0x17c: {  	v35 =	vld.idx.msk [tilespmem:v31+s30+$0x0], $0xffff  }
0x17d: {  	v36 =	vld.idx.msk [tilespmem:v24+s30+$0x0], $0xffff  }
0x17e: {  	v38 =	vld.idx.msk [tilespmem:v23+s30+$0x0], $0xffff  }
0x17f: {  	v37 =	vadd.s32 v1, v33;
	v40 =	vld.idx.msk [tilespmem:v34+s30+$0x0], $0xffff  }
0x180: {  	v39 =	vadd.s32 v2, v33;
	v48 =	vld.idx.msk [tilespmem:v32+s2+$0x0], $0xffff  }
0x181: {  	v47 =	vadd.s32 v3, v33;
	v49 =	vld.idx.msk [tilespmem:v31+s2+$0x0], $0xffff  }
0x182: {  	v50 =	vld.idx.msk [tilespmem:v34+s2+$0x0], $0xffff  }
0x183: {  	v51 =	vld.idx.msk [tilespmem:v24+s2+$0x0], $0xffff  }
0x184: {  	v41 =	vld.idx.msk [tilespmem:v37+s2+$0x0], $0xffff  }
0x185: {  	v42 =	vld.idx.msk [tilespmem:v39+s2+$0x0], $0xffff  }
0x186: {  	v43 =	vld.idx.msk [tilespmem:v47+s2+$0x0], $0xffff;
	v32 =	vadd.s32 $0xFFFFF000, v48  }
0x187: {  	v52 =	vld.idx.msk [tilespmem:v23+s2+$0x0], $0xffff;
	v31 =	vadd.s32 $0xFFFFF000, v49  }
0x188: {  	v34 =	vadd.s32 $0xFFFFF000, v50;
	v37 =	vld.idx.msk [tilespmem:v37+s30+$0x0], $0xffff  }
0x189: {  	v39 =	vld.idx.msk [tilespmem:v39+s30+$0x0], $0xffff;
	v41 =	vadd.s32 $0xFFFFF000, v41  }
0x18a: {  	v33 =	vld.idx.msk [tilespmem:v47+s30+$0x0], $0xffff;
	v42 =	vadd.s32 $0xFFFFF000, v42  }
0x18b: {  	v43 =	vadd.s32 $0xFFFFF000, v43;
	v32 =	vld.idx.msk [tilespmem:v32+s21+$0x0], $0xffff  }
0x18c: {  	v24 =	vadd.s32 $0xFFFFF000, v51;
	v31 =	vld.idx.msk [tilespmem:v31+s21+$0x0], $0xffff  }
0x18d: {  	v23 =	vadd.s32 $0xFFFFF000, v52;
	v34 =	vld.idx.msk [tilespmem:v34+s21+$0x0], $0xffff  }
0x18e: {  	v13 =	vmul.f32 v22, v13;
	v11 =	vmul.f32 v25, v11;
	v53 =	vld.idx.msk [tilespmem:v41+s21+$0x0], $0xffff  }
0x18f: {  	v18 =	vmul.f32 v29, v18;
	v19 =	vmul.f32 v27, v19;
	v54 =	vld.idx.msk [tilespmem:v42+s21+$0x0], $0xffff  }
0x190: {  	v8 =	vmul.f32 v21, v8;
	v20 =	vmul.f32 v30, v20;
	v11 =	vadd.f32 v11, v14;
	v55 =	vld.idx.msk [tilespmem:v43+s21+$0x0], $0xffff  }
0x191: {  	v17 =	vadd.f32 v18, v17;
	v10 =	vmul.f32 v28, v10;
	v16 =	vadd.f32 v19, v16;
	v56 =	vld.idx.msk [tilespmem:v24+s21+$0x0], $0xffff  }
0x192: {  	v15 =	vadd.f32 v20, v15;
	v9 =	vmul.f32 v26, v9;
	v11 =	vadd.f32 v13, v11;
	v57 =	vld.idx.msk [tilespmem:v23+s21+$0x0], $0xffff  }
0x193: {  	v8 =	vadd.f32 v8, v17;
	v12 =	vmul.f32 v32, v12;
	v58 =	vmul.f32 v31, v35  }
0x194: {  	v10 =	vadd.f32 v10, v16;
	v59 =	vmul.f32 v34, v40;
	v60 =	vmul.f32 v53, v37  }
0x195: {  	v9 =	vadd.f32 v9, v15;
	v61 =	vmul.f32 v54, v39;
	v14 =	vmul.f32 v55, v33  }
0x196: {  	v62 =	vmul.f32 v56, v36;
	v11 =	vadd.f32 v59, v11;
	v8 =	vadd.f32 v60, v8  }
0x197: {  	v13 =	vmul.f32 v57, v38;
	v10 =	vadd.f32 v61, v10;
	v9 =	vadd.f32 v14, v9  }
0x198: {  	v11 =	vadd.f32 v12, v11;
	v8 =	vadd.f32 v58, v8  }
0x199: {  	v10 =	vadd.f32 v62, v10;
	v9 =	vadd.f32 v13, v9  }
0x19a: {  	v63 =	vld [tilespmem:s24+$0x14200]  }
0x19b: {  	v8 =	vadd.f32 v8, v11;
	v9 =	vadd.f32 v9, v10  }
0x19c: {  	s23 =	sadd.s32 $0x1, s23  }
0x19d: {  	p1 =	sne.s32 s23, $0x20;
	v8 =	vadd.f32 v9, v8  }
.Ltmp11:
0x19e: {  	_ = 	snop;
	(pc) =	sbr.rel @p1 .LBB2_22-.Ltmp11, $3  }
0x19f: {  	v8 =	vadd.f32 v63, v8;
	_ =	sdelay $0x1  }
0x1a0: {  	v8 =	vmax.f32 v8, $0.0e+00  }
0x1a1: {  	[tilespmem:s24+$0x14500] =	vst v8  }
0x1a2: {  	s4 =	simm.s32 $0x0  }
0x1a3: {  	s22 =	simm.s32 $0x8;
	s24 =	sadd.s32 $0x0, s15;
	s23 =	simm.s32 $0x48  }
.LBB2_26:
0x1a4: {  	[tilespmem:s4], [sflag:$0x1] =	stream.linear.gather [hbm4b:s24+s2], $0x40, $0x38;
	[tilespmem:$0x14700] =	vst v63  }
0x1a5: {  	s24 =	smov.u32 s22;
	s4 =	smov.u32 s23;
	p1 =	sne.s32 s22, $0x7F8  }
.Ltmp12:
0x1a6: {  	s22 =	sadd.s32 $0x8, s22;
	(pc) =	sbr.rel @p1 .LBB2_26-.Ltmp12, $2  }
0x1a7: {  	_ =	sdelay $0x2  }
0x1a8: {  	s23 =	sadd.s32 $0x48, s23;
	s24 =	sadd.s32 s24, s15  }
0x1a9: {  	[tilespmem:s4], [sflag:$0x1] =	stream.linear.gather [hbm4b:s24+s2], $0x40, $0x38;
	[tilespmem:$0x14700] =	vst v63  }
0x1aa: {  	s4 =	simm.s32 $0x9000  }
0x1ab: {  	s22 =	simm.s32 $0x8;
	s24 =	sadd.s32 $0x0, s16;
	s23 =	simm.s32 $0x9048  }
.LBB2_28:
0x1ac: {  	[tilespmem:s4], [sflag:$0x3] =	stream.linear.gather [hbm4b:s24+s2], $0x40, $0x38;
	[tilespmem:$0x14700] =	vst v63  }
0x1ad: {  	s24 =	smov.u32 s22;
	s4 =	smov.u32 s23;
	p1 =	sne.s32 s22, $0x7F8  }
.Ltmp13:
0x1ae: {  	s22 =	sadd.s32 $0x8, s22;
	(pc) =	sbr.rel @p1 .LBB2_28-.Ltmp13, $2  }
0x1af: {  	_ =	sdelay $0x2  }
0x1b0: {  	s23 =	sadd.s32 $0x48, s23;
	s24 =	sadd.s32 s24, s16  }
0x1b1: {  	[tilespmem:s4], [sflag:$0x3] =	stream.linear.gather [hbm4b:s24+s2], $0x40, $0x38;
	[tilespmem:$0x14700] =	vst v63  }
0x1b2: {  	s22 =	simm.s32 $0x0  }
0x1b3: {  	[hbm4b:s17+s22] =	stream.linear.scatter [tilespmem:s3], [sflag:$0x5], $0x200, $0x38;
	[tilespmem:$0x14700] =	vst v63  }
0x1b4: {  	_ =	swait.ge [sflag:s25], $0x200  }
0x1b5: {  	[sflag:s25] =	ssyncset.done $0x0  }
0x1b6: {  	[sflag:s25] =	ssyncadd.s32 $0xFFFFFE00  }
0x1b7: {  	[bflag:$0x0] =	sbarrier.arrive $0xFFFF  }
0x1b8: {  	[tilespmem:s21], [sflag:$0x5] =	stream.linear.gather [hbm4b:s18+s22], $0x2000, $0x38;
	[tilespmem:$0x14700] =	vst v63  }
0x1b9: {  	_ =	swait.ge [sflag:s25], $0x2000  }
0x1ba: {  	[sflag:s25] =	ssyncset.done $0x0  }
0x1bb: {  	[sflag:s25] =	ssyncadd.s32 $0xFFFFE000  }
0x1bc: {  	_ =	swait.ge [sflag:s28], $0x4000  }
0x1bd: {  	[sflag:s28] =	ssyncset.done $0x0  }
0x1be: {  	[sflag:s28] =	ssyncadd.s32 $0xFFFFC000  }
0x1bf: {  	_ =	swait.ge [sflag:s29], $0x4000  }
0x1c0: {  	[sflag:s29] =	ssyncset.done $0x0  }
0x1c1: {  	s23 =	simm.s32 $0x0;
	[sflag:s29] =	ssyncadd.s32 $0xFFFFC000  }
.LBB2_30:
0x1c2: {  	s24 =	sshll.u32 s23, $0x4  }
0x1c3: {  	v9 =	vmov s22;
	v8 =	vmov s24  }
0x1c4: {  	v12 =	vmul.u32 $0x48, v8;
	v8 =	vshrl.u32 v9, $0x3  }
0x1c5: {  	v8 =	vshll.u32 v8, $0x3  }
0x1c6: {  	v8 =	vadd.s32 v12, v8  }
0x1c7: {  	v14 =	vbroadcast v8, $0x0;
	_ =	sdelay $0x1  }
0x1c8: {  	v15 =	vadd.s32 v4, v14  }
0x1c9: {  	v16 =	vadd.s32 v5, v14  }
0x1ca: {  	v17 =	vadd.s32 v6, v14  }
0x1cb: {  	v18 =	vadd.s32 v7, v14  }
0x1cc: {  	v19 =	vadd.s32 v0, v14  }
0x1cd: {  	v13 =	vld.idx.msk [tilespmem:v15+s30+$0x0], $0xffff  }
0x1ce: {  	v8 =	vld.idx.msk [tilespmem:v16+s30+$0x0], $0xffff  }
0x1cf: {  	v10 =	vld.idx.msk [tilespmem:v17+s30+$0x0], $0xffff  }
0x1d0: {  	v20 =	vadd.s32 v1, v14;
	v9 =	vld.idx.msk [tilespmem:v18+s30+$0x0], $0xffff  }
0x1d1: {  	v21 =	vadd.s32 v2, v14;
	v11 =	vld.idx.msk [tilespmem:v19+s30+$0x0], $0xffff  }
0x1d2: {  	v14 =	vadd.s32 v3, v14;
	v15 =	vld.idx.msk [tilespmem:v15+s2+$0x0], $0xffff  }
0x1d3: {  	v16 =	vld.idx.msk [tilespmem:v16+s2+$0x0], $0xffff  }
0x1d4: {  	v19 =	vld.idx.msk [tilespmem:v19+s2+$0x0], $0xffff  }
0x1d5: {  	v22 =	vld.idx.msk [tilespmem:v20+s2+$0x0], $0xffff  }
0x1d6: {  	v23 =	vld.idx.msk [tilespmem:v21+s2+$0x0], $0xffff  }
0x1d7: {  	v24 =	vld.idx.msk [tilespmem:v14+s2+$0x0], $0xffff  }
0x1d8: {  	v17 =	vld.idx.msk [tilespmem:v17+s2+$0x0], $0xffff  }
0x1d9: {  	v26 =	vld.idx.msk [tilespmem:v18+s2+$0x0], $0xffff;
	v15 =	vadd.s32 $0xFFFFD000, v15  }
0x1da: {  	s4 =	simm.s32 $0x8;
	v18 =	vld.idx.msk [tilespmem:v20+s30+$0x0], $0xffff;
	v16 =	vadd.s32 $0xFFFFD000, v16  }
0x1db: {  	v25 =	vadd.s32 $0xFFFFD000, v19;
	v19 =	vld.idx.msk [tilespmem:v21+s30+$0x0], $0xffff;
	v21 =	vmov s4  }
0x1dc: {  	v20 =	vld.idx.msk [tilespmem:v14+s30+$0x0], $0xffff;
	v27 =	vadd.s32 $0xFFFFD000, v22;
	v14 =	vshrl.u32 v21, $0x3  }
0x1dd: {  	v23 =	vadd.s32 $0xFFFFD000, v23;
	v14 =	vshll.u32 v14, $0x3  }
0x1de: {  	v24 =	vadd.s32 $0xFFFFD000, v24;
	v14 =	vadd.s32 v12, v14;
	v22 =	vld.idx.msk [tilespmem:v15+s21+$0x0], $0xffff  }
0x1df: {  	v33 =	vbroadcast v14, $0x0;
	v21 =	vld.idx.msk [tilespmem:v16+s21+$0x0], $0xffff;
	v15 =	vadd.s32 $0xFFFFD000, v17  }
0x1e0: {  	v25 =	vld.idx.msk [tilespmem:v25+s21+$0x0], $0xffff;
	v16 =	vadd.s32 $0xFFFFD000, v26  }
0x1e1: {  	v29 =	vld.idx.msk [tilespmem:v27+s21+$0x0], $0xffff;
	v32 =	vadd.s32 v4, v33  }
0x1e2: {  	v27 =	vld.idx.msk [tilespmem:v23+s21+$0x0], $0xffff;
	v31 =	vadd.s32 v5, v33  }
0x1e3: {  	v30 =	vld.idx.msk [tilespmem:v24+s21+$0x0], $0xffff;
	v24 =	vadd.s32 v6, v33  }
0x1e4: {  	v14 =	vimm.f32 $0.0e+00;
	v17 =	vimm.f32 $0.0e+00;
	v23 =	vadd.s32 v7, v33;
	v28 =	vld.idx.msk [tilespmem:v15+s21+$0x0], $0xffff  }
0x1e5: {  	s4 =	simm.s32 $0x10;
	v34 =	vadd.s32 v0, v33;
	v26 =	vld.idx.msk [tilespmem:v16+s21+$0x0], $0xffff;
	v16 =	vimm.f32 $0.0e+00;
	v15 =	vimm.f32 $0.0e+00  }
.LBB2_31:
0x1e6: {  	p1 =	sne.s32 s4, $0x38;
	v35 =	vld.idx.msk [tilespmem:v32+s30+$0x0], $0xffff  }
0x1e7: {  	v36 =	vadd.s32 v1, v33;
	v13 =	vmul.f32 v22, v13;
	v21 =	vmul.f32 v21, v8;
	v8 =	vld.idx.msk [tilespmem:v31+s30+$0x0], $0xffff  }
0x1e8: {  	v22 =	vadd.s32 v2, v33;
	v25 =	vmul.f32 v25, v11;
	v18 =	vmul.f32 v29, v18;
	v37 =	vld.idx.msk [tilespmem:v24+s30+$0x0], $0xffff  }
0x1e9: {  	v29 =	vadd.s32 v3, v33;
	v19 =	vmul.f32 v27, v19;
	v20 =	vmul.f32 v30, v20;
	v33 =	vld.idx.msk [tilespmem:v23+s30+$0x0], $0xffff  }
0x1ea: {  	v14 =	vadd.f32 v25, v14;
	v17 =	vadd.f32 v18, v17;
	v10 =	vmul.f32 v28, v10;
	v11 =	vld.idx.msk [tilespmem:v34+s30+$0x0], $0xffff  }
0x1eb: {  	v16 =	vadd.f32 v19, v16;
	v15 =	vadd.f32 v20, v15;
	v9 =	vmul.f32 v26, v9;
	v18 =	vld.idx.msk [tilespmem:v32+s2+$0x0], $0xffff  }
0x1ec: {  	v14 =	vadd.f32 v13, v14;
	v17 =	vadd.f32 v21, v17;
	v13 =	vmov v35;
	v19 =	vld.idx.msk [tilespmem:v31+s2+$0x0], $0xffff  }
0x1ed: {  	v16 =	vadd.f32 v10, v16;
	v15 =	vadd.f32 v9, v15;
	v20 =	vld.idx.msk [tilespmem:v34+s2+$0x0], $0xffff  }
0x1ee: {  	v10 =	vmov v37;
	v21 =	vld.idx.msk [tilespmem:v36+s2+$0x0], $0xffff  }
0x1ef: {  	v9 =	vmov v33;
	v25 =	vld.idx.msk [tilespmem:v22+s2+$0x0], $0xffff  }
0x1f0: {  	v26 =	vld.idx.msk [tilespmem:v29+s2+$0x0], $0xffff  }
0x1f1: {  	v27 =	vadd.s32 $0xFFFFD000, v18;
	v24 =	vld.idx.msk [tilespmem:v24+s2+$0x0], $0xffff  }
0x1f2: {  	v28 =	vadd.s32 $0xFFFFD000, v19;
	v23 =	vld.idx.msk [tilespmem:v23+s2+$0x0], $0xffff  }
0x1f3: {  	v19 =	vmov s4;
	v30 =	vadd.s32 $0xFFFFD000, v20;
	v18 =	vld.idx.msk [tilespmem:v36+s30+$0x0], $0xffff  }
0x1f4: {  	v20 =	vshrl.u32 v19, $0x3;
	v31 =	vadd.s32 $0xFFFFD000, v21;
	v19 =	vld.idx.msk [tilespmem:v22+s30+$0x0], $0xffff  }
0x1f5: {  	v21 =	vshll.u32 v20, $0x3;
	v34 =	vadd.s32 $0xFFFFD000, v25;
	v20 =	vld.idx.msk [tilespmem:v29+s30+$0x0], $0xffff  }
0x1f6: {  	v21 =	vadd.s32 v12, v21;
	v26 =	vadd.s32 $0xFFFFD000, v26;
	v22 =	vld.idx.msk [tilespmem:v27+s21+$0x0], $0xffff  }
0x1f7: {  	v33 =	vbroadcast v21, $0x0;
	v21 =	vld.idx.msk [tilespmem:v28+s21+$0x0], $0xffff;
	v28 =	vadd.s32 $0xFFFFD000, v24  }
0x1f8: {  	v35 =	vadd.s32 $0xFFFFD000, v23;
	v25 =	vld.idx.msk [tilespmem:v30+s21+$0x0], $0xffff  }
.Ltmp14:
0x1f9: {  	v32 =	vadd.s32 v4, v33;
	v29 =	vld.idx.msk [tilespmem:v31+s21+$0x0], $0xffff;
	(pc) =	sbr.rel @p1 .LBB2_31-.Ltmp14, $4  }
0x1fa: {  	v31 =	vadd.s32 v5, v33;
	v27 =	vld.idx.msk [tilespmem:v34+s21+$0x0], $0xffff  }
0x1fb: {  	v24 =	vadd.s32 v6, v33;
	v30 =	vld.idx.msk [tilespmem:v26+s21+$0x0], $0xffff  }
0x1fc: {  	v23 =	vadd.s32 v7, v33;
	v28 =	vld.idx.msk [tilespmem:v28+s21+$0x0], $0xffff  }
0x1fd: {  	s4 =	sadd.s32 $0x8, s4;
	v34 =	vadd.s32 v0, v33;
	v26 =	vld.idx.msk [tilespmem:v35+s21+$0x0], $0xffff  }
0x1fe: {  	_ =	sdelay $0x3  }
0x1ff: {  	v12 =	vld.idx.msk [tilespmem:v32+s30+$0x0], $0xffff  }
0x200: {  	v35 =	vld.idx.msk [tilespmem:v31+s30+$0x0], $0xffff  }
0x201: {  	v36 =	vld.idx.msk [tilespmem:v24+s30+$0x0], $0xffff  }
0x202: {  	v38 =	vld.idx.msk [tilespmem:v23+s30+$0x0], $0xffff  }
0x203: {  	v37 =	vadd.s32 v1, v33;
	v40 =	vld.idx.msk [tilespmem:v34+s30+$0x0], $0xffff  }
0x204: {  	v39 =	vadd.s32 v2, v33;
	v48 =	vld.idx.msk [tilespmem:v32+s2+$0x0], $0xffff  }
0x205: {  	v47 =	vadd.s32 v3, v33;
	v49 =	vld.idx.msk [tilespmem:v31+s2+$0x0], $0xffff  }
0x206: {  	v50 =	vld.idx.msk [tilespmem:v34+s2+$0x0], $0xffff  }
0x207: {  	v51 =	vld.idx.msk [tilespmem:v24+s2+$0x0], $0xffff  }
0x208: {  	v41 =	vld.idx.msk [tilespmem:v37+s2+$0x0], $0xffff  }
0x209: {  	v42 =	vld.idx.msk [tilespmem:v39+s2+$0x0], $0xffff  }
0x20a: {  	v43 =	vld.idx.msk [tilespmem:v47+s2+$0x0], $0xffff;
	v32 =	vadd.s32 $0xFFFFD000, v48  }
0x20b: {  	v52 =	vld.idx.msk [tilespmem:v23+s2+$0x0], $0xffff;
	v31 =	vadd.s32 $0xFFFFD000, v49  }
0x20c: {  	v34 =	vadd.s32 $0xFFFFD000, v50;
	v37 =	vld.idx.msk [tilespmem:v37+s30+$0x0], $0xffff  }
0x20d: {  	v39 =	vld.idx.msk [tilespmem:v39+s30+$0x0], $0xffff;
	v41 =	vadd.s32 $0xFFFFD000, v41  }
0x20e: {  	v33 =	vld.idx.msk [tilespmem:v47+s30+$0x0], $0xffff;
	v42 =	vadd.s32 $0xFFFFD000, v42  }
0x20f: {  	v43 =	vadd.s32 $0xFFFFD000, v43;
	v32 =	vld.idx.msk [tilespmem:v32+s21+$0x0], $0xffff  }
0x210: {  	v24 =	vadd.s32 $0xFFFFD000, v51;
	v31 =	vld.idx.msk [tilespmem:v31+s21+$0x0], $0xffff  }
0x211: {  	v23 =	vadd.s32 $0xFFFFD000, v52;
	v34 =	vld.idx.msk [tilespmem:v34+s21+$0x0], $0xffff  }
0x212: {  	v13 =	vmul.f32 v22, v13;
	v11 =	vmul.f32 v25, v11;
	v53 =	vld.idx.msk [tilespmem:v41+s21+$0x0], $0xffff  }
0x213: {  	v18 =	vmul.f32 v29, v18;
	v19 =	vmul.f32 v27, v19;
	v54 =	vld.idx.msk [tilespmem:v42+s21+$0x0], $0xffff  }
0x214: {  	v8 =	vmul.f32 v21, v8;
	v20 =	vmul.f32 v30, v20;
	v11 =	vadd.f32 v11, v14;
	v55 =	vld.idx.msk [tilespmem:v43+s21+$0x0], $0xffff  }
0x215: {  	v17 =	vadd.f32 v18, v17;
	v10 =	vmul.f32 v28, v10;
	v16 =	vadd.f32 v19, v16;
	v56 =	vld.idx.msk [tilespmem:v24+s21+$0x0], $0xffff  }
0x216: {  	v15 =	vadd.f32 v20, v15;
	v9 =	vmul.f32 v26, v9;
	v11 =	vadd.f32 v13, v11;
	v57 =	vld.idx.msk [tilespmem:v23+s21+$0x0], $0xffff  }
0x217: {  	v8 =	vadd.f32 v8, v17;
	v12 =	vmul.f32 v32, v12;
	v58 =	vmul.f32 v31, v35  }
0x218: {  	v10 =	vadd.f32 v10, v16;
	v59 =	vmul.f32 v34, v40;
	v60 =	vmul.f32 v53, v37  }
0x219: {  	v9 =	vadd.f32 v9, v15;
	v61 =	vmul.f32 v54, v39;
	v14 =	vmul.f32 v55, v33  }
0x21a: {  	v62 =	vmul.f32 v56, v36;
	v11 =	vadd.f32 v59, v11;
	v8 =	vadd.f32 v60, v8  }
0x21b: {  	v13 =	vmul.f32 v57, v38;
	v10 =	vadd.f32 v61, v10;
	v9 =	vadd.f32 v14, v9  }
0x21c: {  	v11 =	vadd.f32 v12, v11;
	v8 =	vadd.f32 v58, v8  }
0x21d: {  	v10 =	vadd.f32 v62, v10;
	v9 =	vadd.f32 v13, v9  }
0x21e: {  	v63 =	vld [tilespmem:s24+$0x14400]  }
0x21f: {  	v8 =	vadd.f32 v8, v11;
	v9 =	vadd.f32 v9, v10  }
0x220: {  	s23 =	sadd.s32 $0x1, s23  }
0x221: {  	p1 =	sne.s32 s23, $0x10;
	v8 =	vadd.f32 v9, v8  }
.Ltmp15:
0x222: {  	_ = 	snop;
	(pc) =	sbr.rel @p1 .LBB2_30-.Ltmp15, $3  }
0x223: {  	v8 =	vadd.f32 v63, v8;
	_ =	sdelay $0x1  }
0x224: {  	v8 =	vmax.f32 v8, $0.0e+00  }
0x225: {  	[tilespmem:s24+$0x14500] =	vst v8  }
0x226: {  	s4 =	simm.s32 @!p0 $0x0;
	s22 =	simm.s32 @!p0 $0x14500;
	s1 =	sadd.s32 $0x1, s1  }
0x227: {  	[hbm4b:s19+s4] =	stream.linear.scatter @!p0 [tilespmem:s22], [sflag:$0x5], $0x100, $0x38;
	[tilespmem:$0x14700] =	vst v63  }
0x228: {  	p1 =	sne.s32 s1, s20  }
.Ltmp16:
0x229: {  	_ = 	snop;
	(pc) =	sbr.rel @p1 .LBB2_1-.Ltmp16, $4  }
0x22a: {  	s4 =	simm.s32 @!p0 $0x5  }
0x22b: {  	_ =	swait.ge @!p0 [sflag:s4], $0x100  }
0x22c: {  	[sflag:s4] =	ssyncset.done @!p0 $0x0  }
0x22d: {  	[sflag:s4] =	ssyncadd.s32 @!p0 $0xFFFFFF00  }
0x22e: {  	_ =	sfence.sel $0x180000  }
0x22f: {  	[bflag:$0x0] =	sbarrier.arrive $0xFFFF  }
0x230: {  	_ =	strace $0x90000047  }
0x231: {  	s0 =	stileid.u32;
	[bflag:$0x2] =	sbarrier.arrive $0xFFFF  }
0x232: {  	p0 =	sne.s32 s0, $0x0;
	s0 =	rddreg [dreg:$0x5]  }
0x233: {  	s0 =	sadd.s32 @!p0 $0x100000, s0  }
0x234: {  	[sflag:s0] =	ssyncadd.tile.s32 @!p0 $0x1;
	_ =	shalt  }
.Lfunc_end2:
_tile_overlayer_lowered:
.L_overlay_start_2:
0x235: {  	(tag) =	ssettag $0x2  }
0x236: {  	s0 =	rddreg [dreg:$0x0];
	s2 =	stileid.u32  }
0x237: {  	s1 =	rddreg [dreg:$0x1];
	p0 =	sne.s32 s2, $0x0  }
0x238: {  	s3 =	rddreg [dreg:$0x2];
	[bflag:$0x3] =	sbarrier.arrive $0xFFFF;
	s2 =	simm.s32 @!p0 $0x1C07  }
0x239: {  	[timem:s3], [sflag:s2] =	dma.local @!p0 [hbm:s0], s1  }
0x23a: {  	s0 =	simm.s32 @!p0 $0x7  }
0x23b: {  	_ =	swait.ge @!p0 [sflag:s0], s1  }
0x23c: {  	s1 =	ssub.s32 @!p0 $0x0, s1;
	[sflag:s0] =	ssyncset.done @!p0 $0x0  }
0x23d: {  	[sflag:s0] =	ssyncadd.s32 @!p0 s1  }
0x23e: {  	[bflag:$0x3] =	sbarrier.arrive $0xFFFF  }
0x23f: {  	_ =	shalt  }

</sc_bundles>
